<compile_context>
chip_gen: v7x
topology: tpu7x:2x2x1
jax: 0.10.2.dev20260603
libtpu: 0.0.44.dev20260713+nightly
codegen_flags: <defaults>
</compile_context>

<pallas_src>
import jax
import jax.numpy as jnp
from jax import lax
from jax.experimental import pallas as pl
from jax.experimental.pallas import tpu as pltpu

N = 400000
V = 40000
C = 64
D = 16
EPS = 1e-3
B = 4000
NB = N // B

_f32 = jnp.float32


def _moments0_kernel(x_ref, mu_ref, s_ref):
    g = pl.program_id(0)

    @pl.when(g == 0)
    def _():
        mu_ref[...] = jnp.zeros((8, D), _f32)
        s_ref[...] = jnp.zeros((D, D), _f32)

    x = x_ref[...]
    mu_ref[0:1, :] += jnp.sum(x, axis=0, keepdims=True)
    s_ref[...] += lax.dot_general(x, x, (((0,), (0,)), ((), ())),
                                  preferred_element_type=_f32)


def _scan_masks(ids, d, forward):
    if forward:
        pid = jnp.concatenate(
            [jnp.full((d, 1), -1.0, _f32), ids[:-d, :]], axis=0)
    else:
        pid = jnp.concatenate(
            [ids[d:, :], jnp.full((d, 1), -1.0, _f32)], axis=0)
    return (ids == pid).astype(_f32)


def _shift(x, d, forward):
    pad = jnp.zeros((d, x.shape[1]), _f32)
    if forward:
        return jnp.concatenate([pad, x[:-d, :]], axis=0)
    return jnp.concatenate([x[d:, :], pad], axis=0)


def _segsum_kernel(forward, feats_ref, ids_ref, w_ref, sc_ref, sh_ref,
                   oh_ref, oc_ref, carry_ref):
    g = pl.program_id(0)

    @pl.when(g == 0)
    def _():
        carry_ref[...] = jnp.zeros((8, 128), _f32)
        carry_ref[2:3, 0:1] = jnp.full((1, 1), -1.0, _f32)

    ids = ids_ref[...]
    h = jnp.dot(feats_ref[...], w_ref[...], preferred_element_type=_f32)
    h = jnp.maximum(h * sc_ref[0:1, :] + sh_ref[0:1, :], 0.0)

    x = jnp.concatenate(
        [h, jnp.ones((B, 1), _f32), jnp.zeros((B, 127 - C), _f32)], axis=1)
    d = 1
    while d < B:
        m = _scan_masks(ids, d, forward)
        x = x + _shift(x, d, forward) * m
        d *= 2

    m0 = (ids == carry_ref[2:3, 0:1]).astype(_f32)
    x = x + carry_ref[0:1, :] * m0

    oh_ref[...] = x[:, 0:C]
    oc_ref[...] = x[:, C:C + 1]
    edge = (B - 1, B) if forward else (0, 1)
    carry_ref[0:1, :] = x[edge[0]:edge[1], :]
    carry_ref[2:3, 0:1] = ids[edge[0]:edge[1], :]


def _mid_kernel(feats_ref, fh_ref, fc_ref, bh_ref, bc_ref,
                w0_ref, sc_ref, sh_ref, w1_ref,
                y1_ref, mu_ref, s_ref):
    g = pl.program_id(0)

    @pl.when(g == 0)
    def _():
        mu_ref[...] = jnp.zeros((8, 2 * C), _f32)
        s_ref[...] = jnp.zeros((2 * C, 2 * C), _f32)

    h = jnp.dot(feats_ref[...], w0_ref[...], preferred_element_type=_f32)
    h = jnp.maximum(h * sc_ref[0:1, :] + sh_ref[0:1, :], 0.0)
    tot = fh_ref[...] + bh_ref[...] - h
    cnt = fc_ref[...] + bc_ref[...] - 1.0
    mean = tot / cnt
    f2 = jnp.concatenate([h, mean], axis=1)
    y1_ref[...] = jnp.dot(f2, w1_ref[...], preferred_element_type=_f32)
    mu_ref[0:1, :] += jnp.sum(f2, axis=0, keepdims=True)
    s_ref[...] += lax.dot_general(f2, f2, (((0,), (0,)), ((), ())),
                                  preferred_element_type=_f32)


def _segmax_kernel(y_ref, ids_ref, sc_ref, sh_ref, o_ref, carry_ref):
    g = pl.program_id(0)

    @pl.when(g == 0)
    def _():
        carry_ref[...] = jnp.zeros((8, 128), _f32)
        carry_ref[2:3, 0:1] = jnp.full((1, 1), -1.0, _f32)

    ids = ids_ref[...]
    x = jnp.maximum(y_ref[...] * sc_ref[0:1, :] + sh_ref[0:1, :], 0.0)
    d = 1
    while d < B:
        m = _scan_masks(ids, d, True)
        x = jnp.maximum(x, _shift(x, d, True) * m)
        d *= 2
    m0 = (ids == carry_ref[2:3, 0:1]).astype(_f32)
    x = jnp.maximum(x, carry_ref[0:1, 0:C] * m0)
    o_ref[...] = x
    carry_ref[0:1, 0:C] = x[B - 1:B, :]
    carry_ref[2:3, 0:1] = ids[B - 1:B, :]


def _row_spec(width, reverse=False):
    if reverse:
        return pl.BlockSpec((B, width), lambda g: (NB - 1 - g, 0))
    return pl.BlockSpec((B, width), lambda g: (g, 0))


def _full_spec(shape):
    return pl.BlockSpec(shape, lambda g: (0, 0))


def _bn_consts(mu_row, s_mat, w, g, b):
    m = (mu_row / N) @ w
    t = (s_mat / N) @ w
    e2 = jnp.sum(w * t, axis=0)
    v = e2 - m * m
    inv = g / jnp.sqrt(v + EPS)
    sc = jnp.tile(inv[None, :], (8, 1))
    sh = jnp.tile((b - m * inv)[None, :], (8, 1))
    return sc, sh


def kernel(points, f_center, f_cluster, f_relative, unq_inv,
           W0, g0, b0, W1, g1, b1):
    feats = jnp.concatenate(
        [f_center, points[:, 1:], f_cluster, f_relative], axis=-1)
    feats = jnp.pad(feats, ((0, 0), (0, D - 13)))
    w0p = jnp.pad(W0, ((0, D - 13), (0, 0)))
    idsf = unq_inv.astype(_f32).reshape(N, 1)

    mu0, s0 = pl.pallas_call(
        _moments0_kernel,
        grid=(NB,),
        in_specs=[_row_spec(D)],
        out_specs=[_full_spec((8, D)), _full_spec((D, D))],
        out_shape=[jax.ShapeDtypeStruct((8, D), _f32),
                   jax.ShapeDtypeStruct((D, D), _f32)],
    )(feats)
    sc0, sh0 = _bn_consts(mu0[0], s0, w0p, g0, b0)

    seg_args = dict(
        grid=(NB,),
        out_shape=[jax.ShapeDtypeStruct((N, C), _f32),
                   jax.ShapeDtypeStruct((N, 1), _f32)],
        scratch_shapes=[pltpu.VMEM((8, 128), _f32)],
    )
    fwd_h, fwd_c = pl.pallas_call(
        lambda *a: _segsum_kernel(True, *a),
        in_specs=[_row_spec(D), _row_spec(1), _full_spec((D, C)),
                  _full_spec((8, C)), _full_spec((8, C))],
        out_specs=[_row_spec(C), _row_spec(1)],
        **seg_args,
    )(feats, idsf, w0p, sc0, sh0)
    bwd_h, bwd_c = pl.pallas_call(
        lambda *a: _segsum_kernel(False, *a),
        in_specs=[_row_spec(D, True), _row_spec(1, True), _full_spec((D, C)),
                  _full_spec((8, C)), _full_spec((8, C))],
        out_specs=[_row_spec(C, True), _row_spec(1, True)],
        **seg_args,
    )(feats, idsf, w0p, sc0, sh0)

    y1, mu1, s1 = pl.pallas_call(
        _mid_kernel,
        grid=(NB,),
        in_specs=[_row_spec(D), _row_spec(C), _row_spec(1), _row_spec(C),
                  _row_spec(1), _full_spec((D, C)), _full_spec((8, C)),
                  _full_spec((8, C)), _full_spec((2 * C, C))],
        out_specs=[_row_spec(C), _full_spec((8, 2 * C)),
                   _full_spec((2 * C, 2 * C))],
        out_shape=[jax.ShapeDtypeStruct((N, C), _f32),
                   jax.ShapeDtypeStruct((8, 2 * C), _f32),
                   jax.ShapeDtypeStruct((2 * C, 2 * C), _f32)],
    )(feats, fwd_h, fwd_c, bwd_h, bwd_c, w0p, sc0, sh0, W1)
    sc1, sh1 = _bn_consts(mu1[0], s1, W1, g1, b1)

    fmax = pl.pallas_call(
        _segmax_kernel,
        grid=(NB,),
        in_specs=[_row_spec(C), _row_spec(1), _full_spec((8, C)),
                  _full_spec((8, C))],
        out_specs=_row_spec(C),
        out_shape=jax.ShapeDtypeStruct((N, C), _f32),
        scratch_shapes=[pltpu.VMEM((8, 128), _f32)],
    )(y1, idsf, sc1, sh1)

    vids = jnp.arange(V, dtype=unq_inv.dtype)
    pos = jnp.searchsorted(unq_inv, vids, side='right') - 1
    safe = jnp.clip(pos, 0, N - 1)
    valid = (pos >= 0) & (jnp.take(unq_inv, safe) == vids)
    return jnp.where(valid[:, None], jnp.take(fmax, safe, axis=0), 0.0)

# --- scband reference (transcript-rebuilt; emitter-appended) ---
"""Pipeline reference for scband-dsp-1872605741348 (READ-ONLY COPY).

The authoritative reference and input builder live on the scoring server;
editing this copy changes nothing except your own understanding.
"""

import jax, jax.numpy as jnp
import numpy as np

N = 400000
V = 40000
D_IN = 13          # num_point_features = 3(f_center)+4(points[:,1:])+3(f_cluster)+3(f_relative)
C = 64             # voxel_channel
EPS = 1e-3

POINT_CLOUD_RANGE = jnp.array([0.0, -40.0, -3.0, 70.4, 40.0, 1.0], dtype=jnp.float32)
VOXEL_SIZE = jnp.array([0.2, 0.2, 4.0], dtype=jnp.float32)


def setup_inputs(seed: int = 0) -> dict:
    key = jax.random.key(seed)
    ks = jax.random.split(key, 8)
    points = jax.random.normal(ks[0], (N, 5), dtype=jnp.float32)
    f_center = jax.random.normal(ks[1], (N, 3), dtype=jnp.float32)
    f_cluster = jax.random.normal(ks[2], (N, 3), dtype=jnp.float32)
    f_relative = jax.random.normal(ks[3], (N, 3), dtype=jnp.float32)
    unq_inv = jnp.sort(jax.random.randint(ks[4], (N,), 0, V)).astype(jnp.int32)
    # learned params: block0 Linear(13->64,no bias)+BN, block-1 Linear(128->64,no bias)+BN
    W0 = jax.random.normal(ks[5], (D_IN, C), dtype=jnp.float32) * 0.05
    g0 = jnp.ones((C,), dtype=jnp.float32)
    b0 = jnp.zeros((C,), dtype=jnp.float32)
    W1 = jax.random.normal(ks[6], (2 * C, C), dtype=jnp.float32) * 0.05
    g1 = jnp.ones((C,), dtype=jnp.float32)
    b1 = jnp.zeros((C,), dtype=jnp.float32)
    return {
        'points': points, 'f_center': f_center, 'f_cluster': f_cluster,
        'f_relative': f_relative, 'unq_inv': unq_inv,
        'W0': W0, 'g0': g0, 'b0': b0, 'W1': W1, 'g1': g1, 'b1': b1,
    }


def _bn(x, g, b):
    # training-mode BatchNorm1d (batch statistics, biased variance), eps=0.001
    m = jnp.mean(x, axis=0)
    v = jnp.var(x, axis=0)
    return (x - m) / jnp.sqrt(v + EPS) * g + b


def reference(points, f_center, f_cluster, f_relative, unq_inv, W0, g0, b0, W1, g1, b1):
    # forward preamble (computed but unused in the parallel=['standard'] branch)
    _points_coords_3d = jnp.floor((points[:, 1:4] - POINT_CLOUD_RANGE[0:3]) / VOXEL_SIZE).astype(jnp.int32)

    # gen_feat (the 'standard' branch): cat features -> block0 -> scatter_mean -> cat mean-gather
    feats = jnp.concatenate([f_center, points[:, 1:], f_cluster, f_relative], axis=-1)  # [N,13]
    h = jax.nn.relu(_bn(feats @ W0, g0, b0))  # [N,64]
    ones = jnp.ones((h.shape[0], 1), dtype=h.dtype)
    cnt = jax.ops.segment_sum(ones, unq_inv, num_segments=V)          # [V,1]
    x_sum = jax.ops.segment_sum(h, unq_inv, num_segments=V)           # [V,64]
    x_mean = x_sum / jnp.maximum(cnt, 1.0)                             # scatter_mean
    feat2 = jnp.concatenate([h, x_mean[unq_inv, :]], axis=1)          # [N,128]

    # final block (blocks[-1]) then scatter_max over voxels
    out = jax.nn.relu(_bn(feat2 @ W1, g1, b1))                         # [N,64]
    seg_max = jax.ops.segment_max(out, unq_inv, num_segments=V)       # [V,64]
    seg_max = jnp.where(jnp.isfinite(seg_max), seg_max, 0.0)          # empty segments -> 0 like torch_scatter
    return seg_max

if __name__ == "__main__":
    import jax
    _d = setup_inputs()
    print(jax.jit(kernel)(*tuple(_d.values())))

</pallas_src>

<mosaic_0001>
module attributes {stable_mosaic.version = 14 : i64} {
  func.func @_moments0_kernel(%arg0: i32, %arg1: memref<4000x16xf32, #tpu.memory_space<vmem>>, %arg2: memref<8x16xf32, #tpu.memory_space<vmem>>, %arg3: memref<16x16xf32, #tpu.memory_space<vmem>>) attributes {dimension_semantics = [#tpu.dimension_semantics<arbitrary>], iteration_bounds = array<i64: 100>, scalar_prefetch = 0 : i64, scratch_operands = 0 : i64, tpu.core_type = #tpu.core_type<tc>, window_params = [{transform_indices = @transform_0, window_bounds = array<i64: 4000, 16>}, {pipeline_mode = #tpu.pipeline_mode<synchronous>, transform_indices = @transform_1, window_bounds = array<i64: 8, 16>}, {pipeline_mode = #tpu.pipeline_mode<synchronous>, transform_indices = @transform_2, window_bounds = array<i64: 16, 16>}]} {
    %eq3A = arith.constant 0 : i32
    %eq3A_0 = arith.cmpi eq, %arg0, %eq3A : i32
    %convert_element_type3A = arith.extui %eq3A_0 : i1 to i32
    %cond3A = arith.constant 0 : i32
    %cond3A_1 = arith.cmpi ne, %convert_element_type3A, %cond3A : i32
    scf.if %cond3A_1 {
      %broadcast_in_dim3A_18 = arith.constant 0.000000e+00 : f32
      %broadcast_in_dim3A_19 = vector.broadcast %broadcast_in_dim3A_18 : f32 to vector<8x16xf32>
      %swap3A_20 = arith.constant 0 : index
      %swap3A_21 = arith.constant 0 : index
      %swap3A_22 = vector.load %arg2[%swap3A_20, %swap3A_21] : memref<8x16xf32, #tpu.memory_space<vmem>>, vector<8x16xf32>
      tpu.vector_store %arg2[%swap3A_20, %swap3A_21], %broadcast_in_dim3A_19 {strides = array<i32>} : memref<8x16xf32, #tpu.memory_space<vmem>>, vector<8x16xf32>,
      %broadcast_in_dim3A_23 = arith.constant 0.000000e+00 : f32
      %broadcast_in_dim3A_24 = vector.broadcast %broadcast_in_dim3A_23 : f32 to vector<16x16xf32>
      %swap3A_25 = arith.constant 0 : index
      %swap3A_26 = arith.constant 0 : index
      %swap3A_27 = vector.load %arg3[%swap3A_25, %swap3A_26] : memref<16x16xf32, #tpu.memory_space<vmem>>, vector<16x16xf32>
      tpu.vector_store %arg3[%swap3A_25, %swap3A_26], %broadcast_in_dim3A_24 {strides = array<i32>} : memref<16x16xf32, #tpu.memory_space<vmem>>, vector<16x16xf32>,
    } else {
    }
    %get3A = arith.constant 0 : index
    %get3A_2 = arith.constant 0 : index
    %get3A_3 = vector.load %arg1[%get3A, %get3A_2] : memref<4000x16xf32, #tpu.memory_space<vmem>>, vector<4000x16xf32>
    %get3A_4 = arith.constant 0 : index
    %get3A_5 = arith.constant 0 : index
    %get3A_6 = vector.load %arg2[%get3A_4, %get3A_5] : memref<8x16xf32, #tpu.memory_space<vmem>>, vector<1x16xf32>
    %reduce_sum3A = arith.constant dense<0.000000e+00> : vector<16xf32>
    %reduce_sum3A_7 = vector.multi_reduction <add>, %get3A_3, %reduce_sum3A [0] : vector<4000x16xf32> to vector<16xf32>
    %broadcast_in_dim3A = vector.shape_cast %reduce_sum3A_7 : vector<16xf32> to vector<1x16xf32>
    %add3A = arith.addf %get3A_6, %broadcast_in_dim3A : vector<1x16xf32>
    %swap3A = arith.constant 0 : index
    %swap3A_8 = arith.constant 0 : index
    %swap3A_9 = vector.load %arg2[%swap3A, %swap3A_8] : memref<8x16xf32, #tpu.memory_space<vmem>>, vector<1x16xf32>
    tpu.vector_store %arg2[%swap3A, %swap3A_8], %add3A {strides = array<i32>} : memref<8x16xf32, #tpu.memory_space<vmem>>, vector<1x16xf32>,
    %get3A_10 = arith.constant 0 : index
    %get3A_11 = arith.constant 0 : index
    %get3A_12 = vector.load %arg3[%get3A_10, %get3A_11] : memref<16x16xf32, #tpu.memory_space<vmem>>, vector<16x16xf32>
    %dot_general3A = arith.constant dense<0.000000e+00> : vector<16x16xf32>
    %dot_general3A_13 = tpu.matmul %get3A_3, %get3A_3, %dot_general3A {dimension_numbers = #tpu.dot_dimension_numbers<[0], [0], [1], [1], [0, 1, 1, 1], [], []>, transpose_lhs_hint = false} : vector<4000x16xf32>, vector<4000x16xf32>, vector<16x16xf32> -> vector<16x16xf32>
    %add3A_14 = arith.addf %get3A_12, %dot_general3A_13 : vector<16x16xf32>
    %swap3A_15 = arith.constant 0 : index
    %swap3A_16 = arith.constant 0 : index
    %swap3A_17 = vector.load %arg3[%swap3A_15, %swap3A_16] : memref<16x16xf32, #tpu.memory_space<vmem>>, vector<16x16xf32>
    tpu.vector_store %arg3[%swap3A_15, %swap3A_16], %add3A_14 {strides = array<i32>} : memref<16x16xf32, #tpu.memory_space<vmem>>, vector<16x16xf32>,
    return
  }
  func.func @transform_0(%arg0: i32) -> (i32, i32) {
    %c0_i32 = arith.constant 0 : i32
    %c0_i32_0 = arith.constant 0 : i32
    return %arg0, %c0_i32 : i32, i32
  }
  func.func @transform_1(%arg0: i32) -> (i32, i32) {
    %c0_i32 = arith.constant 0 : i32
    %c0_i32_0 = arith.constant 0 : i32
    %c0_i32_1 = arith.constant 0 : i32
    return %c0_i32, %c0_i32_0 : i32, i32
  }
  func.func @transform_2(%arg0: i32) -> (i32, i32) {
    %c0_i32 = arith.constant 0 : i32
    %c0_i32_0 = arith.constant 0 : i32
    %c0_i32_1 = arith.constant 0 : i32
    return %c0_i32, %c0_i32_0 : i32, i32
  }
}

module attributes {stable_mosaic.version = 14 : i64} {
  func.func @_lambda_(%arg0: i32, %arg1: memref<4000x16xf32, #tpu.memory_space<vmem>>, %arg2: memref<4000x1xf32, #tpu.memory_space<vmem>>, %arg3: memref<16x64xf32, #tpu.memory_space<vmem>>, %arg4: memref<8x64xf32, #tpu.memory_space<vmem>>, %arg5: memref<8x64xf32, #tpu.memory_space<vmem>>, %arg6: memref<4000x64xf32, #tpu.memory_space<vmem>>, %arg7: memref<4000x1xf32, #tpu.memory_space<vmem>>, %arg8: memref<8x128xf32, #tpu.memory_space<vmem>>) attributes {dimension_semantics = [#tpu.dimension_semantics<arbitrary>], iteration_bounds = array<i64: 100>, scalar_prefetch = 0 : i64, scratch_operands = 1 : i64, tpu.core_type = #tpu.core_type<tc>, window_params = [{transform_indices = @transform_0, window_bounds = array<i64: 4000, 16>}, {transform_indices = @transform_1, window_bounds = array<i64: 4000, 1>}, {pipeline_mode = #tpu.pipeline_mode<synchronous>, transform_indices = @transform_2, window_bounds = array<i64: 16, 64>}, {pipeline_mode = #tpu.pipeline_mode<synchronous>, transform_indices = @transform_3, window_bounds = array<i64: 8, 64>}, {pipeline_mode = #tpu.pipeline_mode<synchronous>, transform_indices = @transform_4, window_bounds = array<i64: 8, 64>}, {transform_indices = @transform_5, window_bounds = array<i64: 4000, 64>}, {transform_indices = @transform_6, window_bounds = array<i64: 4000, 1>}]} {
    %eq3A = arith.constant 0 : i32
    %eq3A_0 = arith.cmpi eq, %arg0, %eq3A : i32
    %convert_element_type3A = arith.extui %eq3A_0 : i1 to i32
    %cond3A = arith.constant 0 : i32
    %cond3A_1 = arith.cmpi ne, %convert_element_type3A, %cond3A : i32
    scf.if %cond3A_1 {
      %broadcast_in_dim3A_220 = arith.constant 0.000000e+00 : f32
      %broadcast_in_dim3A_221 = vector.broadcast %broadcast_in_dim3A_220 : f32 to vector<8x128xf32>
      %swap3A_222 = arith.constant 0 : index
      %swap3A_223 = arith.constant 0 : index
      %swap3A_224 = vector.load %arg8[%swap3A_222, %swap3A_223] : memref<8x128xf32, #tpu.memory_space<vmem>>, vector<8x128xf32>
      tpu.vector_store %arg8[%swap3A_222, %swap3A_223], %broadcast_in_dim3A_221 {strides = array<i32>} : memref<8x128xf32, #tpu.memory_space<vmem>>, vector<8x128xf32>,
      %broadcast_in_dim3A_225 = arith.constant -1.000000e+00 : f32
      %broadcast_in_dim3A_226 = vector.broadcast %broadcast_in_dim3A_225 : f32 to vector<1x1xf32>
      %swap3A_227 = arith.constant 2 : index
      %swap3A_228 = arith.constant 0 : index
      %swap3A_229 = vector.load %arg8[%swap3A_227, %swap3A_228] : memref<8x128xf32, #tpu.memory_space<vmem>>, vector<1x1xf32>
      tpu.vector_store %arg8[%swap3A_227, %swap3A_228], %broadcast_in_dim3A_226 {strides = array<i32>} : memref<8x128xf32, #tpu.memory_space<vmem>>, vector<1x1xf32>,
    } else {
    }
    %get3A = arith.constant 0 : index
    %get3A_2 = arith.constant 0 : index
    %get3A_3 = vector.load %arg2[%get3A, %get3A_2] : memref<4000x1xf32, #tpu.memory_space<vmem>>, vector<4000x1xf32>
    %get3A_4 = arith.constant 0 : index
    %get3A_5 = arith.constant 0 : index
    %get3A_6 = vector.load %arg1[%get3A_4, %get3A_5] : memref<4000x16xf32, #tpu.memory_space<vmem>>, vector<4000x16xf32>
    %get3A_7 = arith.constant 0 : index
    %get3A_8 = arith.constant 0 : index
    %get3A_9 = vector.load %arg3[%get3A_7, %get3A_8] : memref<16x64xf32, #tpu.memory_space<vmem>>, vector<16x64xf32>
    %dot_general3A = arith.constant dense<0.000000e+00> : vector<4000x64xf32>
    %dot_general3A_10 = tpu.matmul %get3A_6, %get3A_9, %dot_general3A {dimension_numbers = #tpu.dot_dimension_numbers<[1], [0], [0], [1], [0, 0, 1, 1], [], []>, transpose_lhs_hint = false} : vector<4000x16xf32>, vector<16x64xf32>, vector<4000x64xf32> -> vector<4000x64xf32>
    %get3A_11 = arith.constant 0 : index
    %get3A_12 = arith.constant 0 : index
    %get3A_13 = vector.load %arg4[%get3A_11, %get3A_12] : memref<8x64xf32, #tpu.memory_space<vmem>>, vector<1x64xf32>
    %mul3A = vector.broadcast %get3A_13 : vector<1x64xf32> to vector<4000x64xf32>
    %mul3A_14 = arith.mulf %dot_general3A_10, %mul3A : vector<4000x64xf32>
    %get3A_15 = arith.constant 0 : index
    %get3A_16 = arith.constant 0 : index
    %get3A_17 = vector.load %arg5[%get3A_15, %get3A_16] : memref<8x64xf32, #tpu.memory_space<vmem>>, vector<1x64xf32>
    %add3A = vector.broadcast %get3A_17 : vector<1x64xf32> to vector<4000x64xf32>
    %add3A_18 = arith.addf %mul3A_14, %add3A : vector<4000x64xf32>
    %max3A = arith.constant 0.000000e+00 : f32
    %max3A_19 = vector.broadcast %max3A : f32 to vector<4000x64xf32>
    %max3A_20 = arith.maximumf %add3A_18, %max3A_19 : vector<4000x64xf32>
    %broadcast_in_dim3A = arith.constant 1.000000e+00 : f32
    %broadcast_in_dim3A_21 = vector.broadcast %broadcast_in_dim3A : f32 to vector<4000x1xf32>
    %broadcast_in_dim3A_22 = arith.constant 0.000000e+00 : f32
    %broadcast_in_dim3A_23 = vector.broadcast %broadcast_in_dim3A_22 : f32 to vector<4000x63xf32>
    %concatenate3A = tpu.concatenate %max3A_20, %broadcast_in_dim3A_21, %broadcast_in_dim3A_23 in 1 : vector<4000x64xf32>, vector<4000x1xf32>, vector<4000x63xf32> -> vector<4000x128xf32>
    %slice3A = vector.extract_strided_slice %get3A_3 {offsets = [1, 0], sizes = [3999, 1], strides = [1, 1]} : vector<4000x1xf32> to vector<3999x1xf32>
    %broadcast_in_dim3A_24 = arith.constant -1.000000e+00 : f32
    %broadcast_in_dim3A_25 = vector.broadcast %broadcast_in_dim3A_24 : f32 to vector<1x1xf32>
    %concatenate3A_26 = tpu.concatenate %slice3A, %broadcast_in_dim3A_25 in 0 : vector<3999x1xf32>, vector<1x1xf32> -> vector<4000x1xf32>
    %eq3A_27 = arith.cmpf oeq, %get3A_3, %concatenate3A_26 : vector<4000x1xf32>
    %convert_element_type3A_28 = arith.extui %eq3A_27 : vector<4000x1xi1> to vector<4000x1xi32>
    %convert_element_type3A_29 = arith.sitofp %convert_element_type3A_28 : vector<4000x1xi32> to vector<4000x1xf32>
    %broadcast_in_dim3A_30 = arith.constant 0.000000e+00 : f32
    %broadcast_in_dim3A_31 = vector.broadcast %broadcast_in_dim3A_30 : f32 to vector<1x128xf32>
    %slice3A_32 = vector.extract_strided_slice %concatenate3A {offsets = [1, 0], sizes = [3999, 128], strides = [1, 1]} : vector<4000x128xf32> to vector<3999x128xf32>
    %concatenate3A_33 = tpu.concatenate %slice3A_32, %broadcast_in_dim3A_31 in 0 : vector<3999x128xf32>, vector<1x128xf32> -> vector<4000x128xf32>
    %mul3A_34 = vector.broadcast %convert_element_type3A_29 : vector<4000x1xf32> to vector<4000x128xf32>
    %mul3A_35 = arith.mulf %concatenate3A_33, %mul3A_34 : vector<4000x128xf32>
    %add3A_36 = arith.addf %concatenate3A, %mul3A_35 : vector<4000x128xf32>
    %slice3A_37 = vector.extract_strided_slice %get3A_3 {offsets = [2, 0], sizes = [3998, 1], strides = [1, 1]} : vector<4000x1xf32> to vector<3998x1xf32>
    %broadcast_in_dim3A_38 = arith.constant -1.000000e+00 : f32
    %broadcast_in_dim3A_39 = vector.broadcast %broadcast_in_dim3A_38 : f32 to vector<2x1xf32>
    %concatenate3A_40 = tpu.concatenate %slice3A_37, %broadcast_in_dim3A_39 in 0 : vector<3998x1xf32>, vector<2x1xf32> -> vector<4000x1xf32>
    %eq3A_41 = arith.cmpf oeq, %get3A_3, %concatenate3A_40 : vector<4000x1xf32>
    %convert_element_type3A_42 = arith.extui %eq3A_41 : vector<4000x1xi1> to vector<4000x1xi32>
    %convert_element_type3A_43 = arith.sitofp %convert_element_type3A_42 : vector<4000x1xi32> to vector<4000x1xf32>
    %broadcast_in_dim3A_44 = arith.constant 0.000000e+00 : f32
    %broadcast_in_dim3A_45 = vector.broadcast %broadcast_in_dim3A_44 : f32 to vector<2x128xf32>
    %slice3A_46 = vector.extract_strided_slice %add3A_36 {offsets = [2, 0], sizes = [3998, 128], strides = [1, 1]} : vector<4000x128xf32> to vector<3998x128xf32>
    %concatenate3A_47 = tpu.concatenate %slice3A_46, %broadcast_in_dim3A_45 in 0 : vector<3998x128xf32>, vector<2x128xf32> -> vector<4000x128xf32>
    %mul3A_48 = vector.broadcast %convert_element_type3A_43 : vector<4000x1xf32> to vector<4000x128xf32>
    %mul3A_49 = arith.mulf %concatenate3A_47, %mul3A_48 : vector<4000x128xf32>
    %add3A_50 = arith.addf %add3A_36, %mul3A_49 : vector<4000x128xf32>
    %slice3A_51 = vector.extract_strided_slice %get3A_3 {offsets = [4, 0], sizes = [3996, 1], strides = [1, 1]} : vector<4000x1xf32> to vector<3996x1xf32>
    %broadcast_in_dim3A_52 = arith.constant -1.000000e+00 : f32
    %broadcast_in_dim3A_53 = vector.broadcast %broadcast_in_dim3A_52 : f32 to vector<4x1xf32>
    %concatenate3A_54 = tpu.concatenate %slice3A_51, %broadcast_in_dim3A_53 in 0 : vector<3996x1xf32>, vector<4x1xf32> -> vector<4000x1xf32>
    %eq3A_55 = arith.cmpf oeq, %get3A_3, %concatenate3A_54 : vector<4000x1xf32>
    %convert_element_type3A_56 = arith.extui %eq3A_55 : vector<4000x1xi1> to vector<4000x1xi32>
    %convert_element_type3A_57 = arith.sitofp %convert_element_type3A_56 : vector<4000x1xi32> to vector<4000x1xf32>
    %broadcast_in_dim3A_58 = arith.constant 0.000000e+00 : f32
    %broadcast_in_dim3A_59 = vector.broadcast %broadcast_in_dim3A_58 : f32 to vector<4x128xf32>
    %slice3A_60 = vector.extract_strided_slice %add3A_50 {offsets = [4, 0], sizes = [3996, 128], strides = [1, 1]} : vector<4000x128xf32> to vector<3996x128xf32>
    %concatenate3A_61 = tpu.concatenate %slice3A_60, %broadcast_in_dim3A_59 in 0 : vector<3996x128xf32>, vector<4x128xf32> -> vector<4000x128xf32>
    %mul3A_62 = vector.broadcast %convert_element_type3A_57 : vector<4000x1xf32> to vector<4000x128xf32>
    %mul3A_63 = arith.mulf %concatenate3A_61, %mul3A_62 : vector<4000x128xf32>
    %add3A_64 = arith.addf %add3A_50, %mul3A_63 : vector<4000x128xf32>
    %slice3A_65 = vector.extract_strided_slice %get3A_3 {offsets = [8, 0], sizes = [3992, 1], strides = [1, 1]} : vector<4000x1xf32> to vector<3992x1xf32>
    %broadcast_in_dim3A_66 = arith.constant -1.000000e+00 : f32
    %broadcast_in_dim3A_67 = vector.broadcast %broadcast_in_dim3A_66 : f32 to vector<8x1xf32>
    %concatenate3A_68 = tpu.concatenate %slice3A_65, %broadcast_in_dim3A_67 in 0 : vector<3992x1xf32>, vector<8x1xf32> -> vector<4000x1xf32>
    %eq3A_69 = arith.cmpf oeq, %get3A_3, %concatenate3A_68 : vector<4000x1xf32>
    %convert_element_type3A_70 = arith.extui %eq3A_69 : vector<4000x1xi1> to vector<4000x1xi32>
    %convert_element_type3A_71 = arith.sitofp %convert_element_type3A_70 : vector<4000x1xi32> to vector<4000x1xf32>
    %broadcast_in_dim3A_72 = arith.constant 0.000000e+00 : f32
    %broadcast_in_dim3A_73 = vector.broadcast %broadcast_in_dim3A_72 : f32 to vector<8x128xf32>
    %slice3A_74 = vector.extract_strided_slice %add3A_64 {offsets = [8, 0], sizes = [3992, 128], strides = [1, 1]} : vector<4000x128xf32> to vector<3992x128xf32>
    %concatenate3A_75 = tpu.concatenate %slice3A_74, %broadcast_in_dim3A_73 in 0 : vector<3992x128xf32>, vector<8x128xf32> -> vector<4000x128xf32>
    %mul3A_76 = vector.broadcast %convert_element_type3A_71 : vector<4000x1xf32> to vector<4000x128xf32>
    %mul3A_77 = arith.mulf %concatenate3A_75, %mul3A_76 : vector<4000x128xf32>
    %add3A_78 = arith.addf %add3A_64, %mul3A_77 : vector<4000x128xf32>
    %slice3A_79 = vector.extract_strided_slice %get3A_3 {offsets = [16, 0], sizes = [3984, 1], strides = [1, 1]} : vector<4000x1xf32> to vector<3984x1xf32>
    %broadcast_in_dim3A_80 = arith.constant -1.000000e+00 : f32
    %broadcast_in_dim3A_81 = vector.broadcast %broadcast_in_dim3A_80 : f32 to vector<16x1xf32>
    %concatenate3A_82 = tpu.concatenate %slice3A_79, %broadcast_in_dim3A_81 in 0 : vector<3984x1xf32>, vector<16x1xf32> -> vector<4000x1xf32>
    %eq3A_83 = arith.cmpf oeq, %get3A_3, %concatenate3A_82 : vector<4000x1xf32>
    %convert_element_type3A_84 = arith.extui %eq3A_83 : vector<4000x1xi1> to vector<4000x1xi32>
    %convert_element_type3A_85 = arith.sitofp %convert_element_type3A_84 : vector<4000x1xi32> to vector<4000x1xf32>
    %broadcast_in_dim3A_86 = arith.constant 0.000000e+00 : f32
    %broadcast_in_dim3A_87 = vector.broadcast %broadcast_in_dim3A_86 : f32 to vector<16x128xf32>
    %slice3A_88 = vector.extract_strided_slice %add3A_78 {offsets = [16, 0], sizes = [3984, 128], strides = [1, 1]} : vector<4000x128xf32> to vector<3984x128xf32>
    %concatenate3A_89 = tpu.concatenate %slice3A_88, %broadcast_in_dim3A_87 in 0 : vector<3984x128xf32>, vector<16x128xf32> -> vector<4000x128xf32>
    %mul3A_90 = vector.broadcast %convert_element_type3A_85 : vector<4000x1xf32> to vector<4000x128xf32>
    %mul3A_91 = arith.mulf %concatenate3A_89, %mul3A_90 : vector<4000x128xf32>
    %add3A_92 = arith.addf %add3A_78, %mul3A_91 : vector<4000x128xf32>
    %slice3A_93 = vector.extract_strided_slice %get3A_3 {offsets = [32, 0], sizes = [3968, 1], strides = [1, 1]} : vector<4000x1xf32> to vector<3968x1xf32>
    %broadcast_in_dim3A_94 = arith.constant -1.000000e+00 : f32
    %broadcast_in_dim3A_95 = vector.broadcast %broadcast_in_dim3A_94 : f32 to vector<32x1xf32>
    %concatenate3A_96 = tpu.concatenate %slice3A_93, %broadcast_in_dim3A_95 in 0 : vector<3968x1xf32>, vector<32x1xf32> -> vector<4000x1xf32>
    %eq3A_97 = arith.cmpf oeq, %get3A_3, %concatenate3A_96 : vector<4000x1xf32>
    %convert_element_type3A_98 = arith.extui %eq3A_97 : vector<4000x1xi1> to vector<4000x1xi32>
    %convert_element_type3A_99 = arith.sitofp %convert_element_type3A_98 : vector<4000x1xi32> to vector<4000x1xf32>
    %broadcast_in_dim3A_100 = arith.constant 0.000000e+00 : f32
    %broadcast_in_dim3A_101 = vector.broadcast %broadcast_in_dim3A_100 : f32 to vector<32x128xf32>
    %slice3A_102 = vector.extract_strided_slice %add3A_92 {offsets = [32, 0], sizes = [3968, 128], strides = [1, 1]} : vector<4000x128xf32> to vector<3968x128xf32>
    %concatenate3A_103 = tpu.concatenate %slice3A_102, %broadcast_in_dim3A_101 in 0 : vector<3968x128xf32>, vector<32x128xf32> -> vector<4000x128xf32>
    %mul3A_104 = vector.broadcast %convert_element_type3A_99 : vector<4000x1xf32> to vector<4000x128xf32>
    %mul3A_105 = arith.mulf %concatenate3A_103, %mul3A_104 : vector<4000x128xf32>
    %add3A_106 = arith.addf %add3A_92, %mul3A_105 : vector<4000x128xf32>
    %slice3A_107 = vector.extract_strided_slice %get3A_3 {offsets = [64, 0], sizes = [3936, 1], strides = [1, 1]} : vector<4000x1xf32> to vector<3936x1xf32>
    %broadcast_in_dim3A_108 = arith.constant -1.000000e+00 : f32
    %broadcast_in_dim3A_109 = vector.broadcast %broadcast_in_dim3A_108 : f32 to vector<64x1xf32>
    %concatenate3A_110 = tpu.concatenate %slice3A_107, %broadcast_in_dim3A_109 in 0 : vector<3936x1xf32>, vector<64x1xf32> -> vector<4000x1xf32>
    %eq3A_111 = arith.cmpf oeq, %get3A_3, %concatenate3A_110 : vector<4000x1xf32>
    %convert_element_type3A_112 = arith.extui %eq3A_111 : vector<4000x1xi1> to vector<4000x1xi32>
    %convert_element_type3A_113 = arith.sitofp %convert_element_type3A_112 : vector<4000x1xi32> to vector<4000x1xf32>
    %broadcast_in_dim3A_114 = arith.constant 0.000000e+00 : f32
    %broadcast_in_dim3A_115 = vector.broadcast %broadcast_in_dim3A_114 : f32 to vector<64x128xf32>
    %slice3A_116 = vector.extract_strided_slice %add3A_106 {offsets = [64, 0], sizes = [3936, 128], strides = [1, 1]} : vector<4000x128xf32> to vector<3936x128xf32>
    %concatenate3A_117 = tpu.concatenate %slice3A_116, %broadcast_in_dim3A_115 in 0 : vector<3936x128xf32>, vector<64x128xf32> -> vector<4000x128xf32>
    %mul3A_118 = vector.broadcast %convert_element_type3A_113 : vector<4000x1xf32> to vector<4000x128xf32>
    %mul3A_119 = arith.mulf %concatenate3A_117, %mul3A_118 : vector<4000x128xf32>
    %add3A_120 = arith.addf %add3A_106, %mul3A_119 : vector<4000x128xf32>
    %slice3A_121 = vector.extract_strided_slice %get3A_3 {offsets = [128, 0], sizes = [3872, 1], strides = [1, 1]} : vector<4000x1xf32> to vector<3872x1xf32>
    %broadcast_in_dim3A_122 = arith.constant -1.000000e+00 : f32
    %broadcast_in_dim3A_123 = vector.broadcast %broadcast_in_dim3A_122 : f32 to vector<128x1xf32>
    %concatenate3A_124 = tpu.concatenate %slice3A_121, %broadcast_in_dim3A_123 in 0 : vector<3872x1xf32>, vector<128x1xf32> -> vector<4000x1xf32>
    %eq3A_125 = arith.cmpf oeq, %get3A_3, %concatenate3A_124 : vector<4000x1xf32>
    %convert_element_type3A_126 = arith.extui %eq3A_125 : vector<4000x1xi1> to vector<4000x1xi32>
    %convert_element_type3A_127 = arith.sitofp %convert_element_type3A_126 : vector<4000x1xi32> to vector<4000x1xf32>
    %broadcast_in_dim3A_128 = arith.constant 0.000000e+00 : f32
    %broadcast_in_dim3A_129 = vector.broadcast %broadcast_in_dim3A_128 : f32 to vector<128x128xf32>
    %slice3A_130 = vector.extract_strided_slice %add3A_120 {offsets = [128, 0], sizes = [3872, 128], strides = [1, 1]} : vector<4000x128xf32> to vector<3872x128xf32>
    %concatenate3A_131 = tpu.concatenate %slice3A_130, %broadcast_in_dim3A_129 in 0 : vector<3872x128xf32>, vector<128x128xf32> -> vector<4000x128xf32>
    %mul3A_132 = vector.broadcast %convert_element_type3A_127 : vector<4000x1xf32> to vector<4000x128xf32>
    %mul3A_133 = arith.mulf %concatenate3A_131, %mul3A_132 : vector<4000x128xf32>
    %add3A_134 = arith.addf %add3A_120, %mul3A_133 : vector<4000x128xf32>
    %slice3A_135 = vector.extract_strided_slice %get3A_3 {offsets = [256, 0], sizes = [3744, 1], strides = [1, 1]} : vector<4000x1xf32> to vector<3744x1xf32>
    %broadcast_in_dim3A_136 = arith.constant -1.000000e+00 : f32
    %broadcast_in_dim3A_137 = vector.broadcast %broadcast_in_dim3A_136 : f32 to vector<256x1xf32>
    %concatenate3A_138 = tpu.concatenate %slice3A_135, %broadcast_in_dim3A_137 in 0 : vector<3744x1xf32>, vector<256x1xf32> -> vector<4000x1xf32>
    %eq3A_139 = arith.cmpf oeq, %get3A_3, %concatenate3A_138 : vector<4000x1xf32>
    %convert_element_type3A_140 = arith.extui %eq3A_139 : vector<4000x1xi1> to vector<4000x1xi32>
    %convert_element_type3A_141 = arith.sitofp %convert_element_type3A_140 : vector<4000x1xi32> to vector<4000x1xf32>
    %broadcast_in_dim3A_142 = arith.constant 0.000000e+00 : f32
    %broadcast_in_dim3A_143 = vector.broadcast %broadcast_in_dim3A_142 : f32 to vector<256x128xf32>
    %slice3A_144 = vector.extract_strided_slice %add3A_134 {offsets = [256, 0], sizes = [3744, 128], strides = [1, 1]} : vector<4000x128xf32> to vector<3744x128xf32>
    %concatenate3A_145 = tpu.concatenate %slice3A_144, %broadcast_in_dim3A_143 in 0 : vector<3744x128xf32>, vector<256x128xf32> -> vector<4000x128xf32>
    %mul3A_146 = vector.broadcast %convert_element_type3A_141 : vector<4000x1xf32> to vector<4000x128xf32>
    %mul3A_147 = arith.mulf %concatenate3A_145, %mul3A_146 : vector<4000x128xf32>
    %add3A_148 = arith.addf %add3A_134, %mul3A_147 : vector<4000x128xf32>
    %slice3A_149 = vector.extract_strided_slice %get3A_3 {offsets = [512, 0], sizes = [3488, 1], strides = [1, 1]} : vector<4000x1xf32> to vector<3488x1xf32>
    %broadcast_in_dim3A_150 = arith.constant -1.000000e+00 : f32
    %broadcast_in_dim3A_151 = vector.broadcast %broadcast_in_dim3A_150 : f32 to vector<512x1xf32>
    %concatenate3A_152 = tpu.concatenate %slice3A_149, %broadcast_in_dim3A_151 in 0 : vector<3488x1xf32>, vector<512x1xf32> -> vector<4000x1xf32>
    %eq3A_153 = arith.cmpf oeq, %get3A_3, %concatenate3A_152 : vector<4000x1xf32>
    %convert_element_type3A_154 = arith.extui %eq3A_153 : vector<4000x1xi1> to vector<4000x1xi32>
    %convert_element_type3A_155 = arith.sitofp %convert_element_type3A_154 : vector<4000x1xi32> to vector<4000x1xf32>
    %broadcast_in_dim3A_156 = arith.constant 0.000000e+00 : f32
    %broadcast_in_dim3A_157 = vector.broadcast %broadcast_in_dim3A_156 : f32 to vector<512x128xf32>
    %slice3A_158 = vector.extract_strided_slice %add3A_148 {offsets = [512, 0], sizes = [3488, 128], strides = [1, 1]} : vector<4000x128xf32> to vector<3488x128xf32>
    %concatenate3A_159 = tpu.concatenate %slice3A_158, %broadcast_in_dim3A_157 in 0 : vector<3488x128xf32>, vector<512x128xf32> -> vector<4000x128xf32>
    %mul3A_160 = vector.broadcast %convert_element_type3A_155 : vector<4000x1xf32> to vector<4000x128xf32>
    %mul3A_161 = arith.mulf %concatenate3A_159, %mul3A_160 : vector<4000x128xf32>
    %add3A_162 = arith.addf %add3A_148, %mul3A_161 : vector<4000x128xf32>
    %slice3A_163 = vector.extract_strided_slice %get3A_3 {offsets = [1024, 0], sizes = [2976, 1], strides = [1, 1]} : vector<4000x1xf32> to vector<2976x1xf32>
    %broadcast_in_dim3A_164 = arith.constant -1.000000e+00 : f32
    %broadcast_in_dim3A_165 = vector.broadcast %broadcast_in_dim3A_164 : f32 to vector<1024x1xf32>
    %concatenate3A_166 = tpu.concatenate %slice3A_163, %broadcast_in_dim3A_165 in 0 : vector<2976x1xf32>, vector<1024x1xf32> -> vector<4000x1xf32>
    %eq3A_167 = arith.cmpf oeq, %get3A_3, %concatenate3A_166 : vector<4000x1xf32>
    %convert_element_type3A_168 = arith.extui %eq3A_167 : vector<4000x1xi1> to vector<4000x1xi32>
    %convert_element_type3A_169 = arith.sitofp %convert_element_type3A_168 : vector<4000x1xi32> to vector<4000x1xf32>
    %broadcast_in_dim3A_170 = arith.constant 0.000000e+00 : f32
    %broadcast_in_dim3A_171 = vector.broadcast %broadcast_in_dim3A_170 : f32 to vector<1024x128xf32>
    %slice3A_172 = vector.extract_strided_slice %add3A_162 {offsets = [1024, 0], sizes = [2976, 128], strides = [1, 1]} : vector<4000x128xf32> to vector<2976x128xf32>
    %concatenate3A_173 = tpu.concatenate %slice3A_172, %broadcast_in_dim3A_171 in 0 : vector<2976x128xf32>, vector<1024x128xf32> -> vector<4000x128xf32>
    %mul3A_174 = vector.broadcast %convert_element_type3A_169 : vector<4000x1xf32> to vector<4000x128xf32>
    %mul3A_175 = arith.mulf %concatenate3A_173, %mul3A_174 : vector<4000x128xf32>
    %add3A_176 = arith.addf %add3A_162, %mul3A_175 : vector<4000x128xf32>
    %slice3A_177 = vector.extract_strided_slice %get3A_3 {offsets = [2048, 0], sizes = [1952, 1], strides = [1, 1]} : vector<4000x1xf32> to vector<1952x1xf32>
    %broadcast_in_dim3A_178 = arith.constant -1.000000e+00 : f32
    %broadcast_in_dim3A_179 = vector.broadcast %broadcast_in_dim3A_178 : f32 to vector<2048x1xf32>
    %concatenate3A_180 = tpu.concatenate %slice3A_177, %broadcast_in_dim3A_179 in 0 : vector<1952x1xf32>, vector<2048x1xf32> -> vector<4000x1xf32>
    %eq3A_181 = arith.cmpf oeq, %get3A_3, %concatenate3A_180 : vector<4000x1xf32>
    %convert_element_type3A_182 = arith.extui %eq3A_181 : vector<4000x1xi1> to vector<4000x1xi32>
    %convert_element_type3A_183 = arith.sitofp %convert_element_type3A_182 : vector<4000x1xi32> to vector<4000x1xf32>
    %broadcast_in_dim3A_184 = arith.constant 0.000000e+00 : f32
    %broadcast_in_dim3A_185 = vector.broadcast %broadcast_in_dim3A_184 : f32 to vector<2048x128xf32>
    %slice3A_186 = vector.extract_strided_slice %add3A_176 {offsets = [2048, 0], sizes = [1952, 128], strides = [1, 1]} : vector<4000x128xf32> to vector<1952x128xf32>
    %concatenate3A_187 = tpu.concatenate %slice3A_186, %broadcast_in_dim3A_185 in 0 : vector<1952x128xf32>, vector<2048x128xf32> -> vector<4000x128xf32>
    %mul3A_188 = vector.broadcast %convert_element_type3A_183 : vector<4000x1xf32> to vector<4000x128xf32>
    %mul3A_189 = arith.mulf %concatenate3A_187, %mul3A_188 : vector<4000x128xf32>
    %add3A_190 = arith.addf %add3A_176, %mul3A_189 : vector<4000x128xf32>
    %get3A_191 = arith.constant 2 : index
    %get3A_192 = arith.constant 0 : index
    %get3A_193 = vector.load %arg8[%get3A_191, %get3A_192] : memref<8x128xf32, #tpu.memory_space<vmem>>, vector<1x1xf32>
    %eq3A_194 = vector.broadcast %get3A_193 : vector<1x1xf32> to vector<4000x1xf32>
    %eq3A_195 = arith.cmpf oeq, %get3A_3, %eq3A_194 : vector<4000x1xf32>
    %convert_element_type3A_196 = arith.extui %eq3A_195 : vector<4000x1xi1> to vector<4000x1xi32>
    %convert_element_type3A_197 = arith.sitofp %convert_element_type3A_196 : vector<4000x1xi32> to vector<4000x1xf32>
    %get3A_198 = arith.constant 0 : index
    %get3A_199 = arith.constant 0 : index
    %get3A_200 = vector.load %arg8[%get3A_198, %get3A_199] : memref<8x128xf32, #tpu.memory_space<vmem>>, vector<1x128xf32>
    %mul3A_201 = vector.broadcast %get3A_200 : vector<1x128xf32> to vector<4000x128xf32>
    %mul3A_202 = vector.broadcast %convert_element_type3A_197 : vector<4000x1xf32> to vector<4000x128xf32>
    %mul3A_203 = arith.mulf %mul3A_201, %mul3A_202 : vector<4000x128xf32>
    %add3A_204 = arith.addf %add3A_190, %mul3A_203 : vector<4000x128xf32>
    %slice3A_205 = vector.extract_strided_slice %add3A_204 {offsets = [0, 0], sizes = [4000, 64], strides = [1, 1]} : vector<4000x128xf32> to vector<4000x64xf32>
    %swap3A = arith.constant 0 : index
    %swap3A_206 = arith.constant 0 : index
    %swap3A_207 = vector.load %arg6[%swap3A, %swap3A_206] : memref<4000x64xf32, #tpu.memory_space<vmem>>, vector<4000x64xf32>
    tpu.vector_store %arg6[%swap3A, %swap3A_206], %slice3A_205 {strides = array<i32>} : memref<4000x64xf32, #tpu.memory_space<vmem>>, vector<4000x64xf32>,
    %slice3A_208 = vector.extract_strided_slice %add3A_204 {offsets = [0, 64], sizes = [4000, 1], strides = [1, 1]} : vector<4000x128xf32> to vector<4000x1xf32>
    %swap3A_209 = arith.constant 0 : index
    %swap3A_210 = arith.constant 0 : index
    %swap3A_211 = vector.load %arg7[%swap3A_209, %swap3A_210] : memref<4000x1xf32, #tpu.memory_space<vmem>>, vector<4000x1xf32>
    tpu.vector_store %arg7[%swap3A_209, %swap3A_210], %slice3A_208 {strides = array<i32>} : memref<4000x1xf32, #tpu.memory_space<vmem>>, vector<4000x1xf32>,
    %slice3A_212 = vector.extract_strided_slice %add3A_204 {offsets = [0, 0], sizes = [1, 128], strides = [1, 1]} : vector<4000x128xf32> to vector<1x128xf32>
    %swap3A_213 = arith.constant 0 : index
    %swap3A_214 = arith.constant 0 : index
    %swap3A_215 = vector.load %arg8[%swap3A_213, %swap3A_214] : memref<8x128xf32, #tpu.memory_space<vmem>>, vector<1x128xf32>
    tpu.vector_store %arg8[%swap3A_213, %swap3A_214], %slice3A_212 {strides = array<i32>} : memref<8x128xf32, #tpu.memory_space<vmem>>, vector<1x128xf32>,
    %slice3A_216 = vector.extract_strided_slice %get3A_3 {offsets = [0, 0], sizes = [1, 1], strides = [1, 1]} : vector<4000x1xf32> to vector<1x1xf32>
    %swap3A_217 = arith.constant 2 : index
    %swap3A_218 = arith.constant 0 : index
    %swap3A_219 = vector.load %arg8[%swap3A_217, %swap3A_218] : memref<8x128xf32, #tpu.memory_space<vmem>>, vector<1x1xf32>
    tpu.vector_store %arg8[%swap3A_217, %swap3A_218], %slice3A_216 {strides = array<i32>} : memref<8x128xf32, #tpu.memory_space<vmem>>, vector<1x1xf32>,
    return
  }
  func.func @transform_0(%arg0: i32) -> (i32, i32) {
    %sub3A = arith.constant 99 : i32
    %sub3A_0 = arith.subi %sub3A, %arg0 : i32
    %c0_i32 = arith.constant 0 : i32
    %c0_i32_1 = arith.constant 0 : i32
    return %sub3A_0, %c0_i32 : i32, i32
  }
  func.func @transform_1(%arg0: i32) -> (i32, i32) {
    %sub3A = arith.constant 99 : i32
    %sub3A_0 = arith.subi %sub3A, %arg0 : i32
    %c0_i32 = arith.constant 0 : i32
    %c0_i32_1 = arith.constant 0 : i32
    return %sub3A_0, %c0_i32 : i32, i32
  }
  func.func @transform_2(%arg0: i32) -> (i32, i32) {
    %c0_i32 = arith.constant 0 : i32
    %c0_i32_0 = arith.constant 0 : i32
    %c0_i32_1 = arith.constant 0 : i32
    return %c0_i32, %c0_i32_0 : i32, i32
  }
  func.func @transform_3(%arg0: i32) -> (i32, i32) {
    %c0_i32 = arith.constant 0 : i32
    %c0_i32_0 = arith.constant 0 : i32
    %c0_i32_1 = arith.constant 0 : i32
    return %c0_i32, %c0_i32_0 : i32, i32
  }
  func.func @transform_4(%arg0: i32) -> (i32, i32) {
    %c0_i32 = arith.constant 0 : i32
    %c0_i32_0 = arith.constant 0 : i32
    %c0_i32_1 = arith.constant 0 : i32
    return %c0_i32, %c0_i32_0 : i32, i32
  }
  func.func @transform_5(%arg0: i32) -> (i32, i32) {
    %sub3A = arith.constant 99 : i32
    %sub3A_0 = arith.subi %sub3A, %arg0 : i32
    %c0_i32 = arith.constant 0 : i32
    %c0_i32_1 = arith.constant 0 : i32
    return %sub3A_0, %c0_i32 : i32, i32
  }
  func.func @transform_6(%arg0: i32) -> (i32, i32) {
    %sub3A = arith.constant 99 : i32
    %sub3A_0 = arith.subi %sub3A, %arg0 : i32
    %c0_i32 = arith.constant 0 : i32
    %c0_i32_1 = arith.constant 0 : i32
    return %sub3A_0, %c0_i32 : i32, i32
  }
}

module attributes {stable_mosaic.version = 14 : i64} {
  func.func @_lambda_(%arg0: i32, %arg1: memref<4000x16xf32, #tpu.memory_space<vmem>>, %arg2: memref<4000x1xf32, #tpu.memory_space<vmem>>, %arg3: memref<16x64xf32, #tpu.memory_space<vmem>>, %arg4: memref<8x64xf32, #tpu.memory_space<vmem>>, %arg5: memref<8x64xf32, #tpu.memory_space<vmem>>, %arg6: memref<4000x64xf32, #tpu.memory_space<vmem>>, %arg7: memref<4000x1xf32, #tpu.memory_space<vmem>>, %arg8: memref<8x128xf32, #tpu.memory_space<vmem>>) attributes {dimension_semantics = [#tpu.dimension_semantics<arbitrary>], iteration_bounds = array<i64: 100>, scalar_prefetch = 0 : i64, scratch_operands = 1 : i64, tpu.core_type = #tpu.core_type<tc>, window_params = [{transform_indices = @transform_0, window_bounds = array<i64: 4000, 16>}, {transform_indices = @transform_1, window_bounds = array<i64: 4000, 1>}, {pipeline_mode = #tpu.pipeline_mode<synchronous>, transform_indices = @transform_2, window_bounds = array<i64: 16, 64>}, {pipeline_mode = #tpu.pipeline_mode<synchronous>, transform_indices = @transform_3, window_bounds = array<i64: 8, 64>}, {pipeline_mode = #tpu.pipeline_mode<synchronous>, transform_indices = @transform_4, window_bounds = array<i64: 8, 64>}, {transform_indices = @transform_5, window_bounds = array<i64: 4000, 64>}, {transform_indices = @transform_6, window_bounds = array<i64: 4000, 1>}]} {
    %eq3A = arith.constant 0 : i32
    %eq3A_0 = arith.cmpi eq, %arg0, %eq3A : i32
    %convert_element_type3A = arith.extui %eq3A_0 : i1 to i32
    %cond3A = arith.constant 0 : i32
    %cond3A_1 = arith.cmpi ne, %convert_element_type3A, %cond3A : i32
    scf.if %cond3A_1 {
      %broadcast_in_dim3A_220 = arith.constant 0.000000e+00 : f32
      %broadcast_in_dim3A_221 = vector.broadcast %broadcast_in_dim3A_220 : f32 to vector<8x128xf32>
      %swap3A_222 = arith.constant 0 : index
      %swap3A_223 = arith.constant 0 : index
      %swap3A_224 = vector.load %arg8[%swap3A_222, %swap3A_223] : memref<8x128xf32, #tpu.memory_space<vmem>>, vector<8x128xf32>
      tpu.vector_store %arg8[%swap3A_222, %swap3A_223], %broadcast_in_dim3A_221 {strides = array<i32>} : memref<8x128xf32, #tpu.memory_space<vmem>>, vector<8x128xf32>,
      %broadcast_in_dim3A_225 = arith.constant -1.000000e+00 : f32
      %broadcast_in_dim3A_226 = vector.broadcast %broadcast_in_dim3A_225 : f32 to vector<1x1xf32>
      %swap3A_227 = arith.constant 2 : index
      %swap3A_228 = arith.constant 0 : index
      %swap3A_229 = vector.load %arg8[%swap3A_227, %swap3A_228] : memref<8x128xf32, #tpu.memory_space<vmem>>, vector<1x1xf32>
      tpu.vector_store %arg8[%swap3A_227, %swap3A_228], %broadcast_in_dim3A_226 {strides = array<i32>} : memref<8x128xf32, #tpu.memory_space<vmem>>, vector<1x1xf32>,
    } else {
    }
    %get3A = arith.constant 0 : index
    %get3A_2 = arith.constant 0 : index
    %get3A_3 = vector.load %arg2[%get3A, %get3A_2] : memref<4000x1xf32, #tpu.memory_space<vmem>>, vector<4000x1xf32>
    %get3A_4 = arith.constant 0 : index
    %get3A_5 = arith.constant 0 : index
    %get3A_6 = vector.load %arg1[%get3A_4, %get3A_5] : memref<4000x16xf32, #tpu.memory_space<vmem>>, vector<4000x16xf32>
    %get3A_7 = arith.constant 0 : index
    %get3A_8 = arith.constant 0 : index
    %get3A_9 = vector.load %arg3[%get3A_7, %get3A_8] : memref<16x64xf32, #tpu.memory_space<vmem>>, vector<16x64xf32>
    %dot_general3A = arith.constant dense<0.000000e+00> : vector<4000x64xf32>
    %dot_general3A_10 = tpu.matmul %get3A_6, %get3A_9, %dot_general3A {dimension_numbers = #tpu.dot_dimension_numbers<[1], [0], [0], [1], [0, 0, 1, 1], [], []>, transpose_lhs_hint = false} : vector<4000x16xf32>, vector<16x64xf32>, vector<4000x64xf32> -> vector<4000x64xf32>
    %get3A_11 = arith.constant 0 : index
    %get3A_12 = arith.constant 0 : index
    %get3A_13 = vector.load %arg4[%get3A_11, %get3A_12] : memref<8x64xf32, #tpu.memory_space<vmem>>, vector<1x64xf32>
    %mul3A = vector.broadcast %get3A_13 : vector<1x64xf32> to vector<4000x64xf32>
    %mul3A_14 = arith.mulf %dot_general3A_10, %mul3A : vector<4000x64xf32>
    %get3A_15 = arith.constant 0 : index
    %get3A_16 = arith.constant 0 : index
    %get3A_17 = vector.load %arg5[%get3A_15, %get3A_16] : memref<8x64xf32, #tpu.memory_space<vmem>>, vector<1x64xf32>
    %add3A = vector.broadcast %get3A_17 : vector<1x64xf32> to vector<4000x64xf32>
    %add3A_18 = arith.addf %mul3A_14, %add3A : vector<4000x64xf32>
    %max3A = arith.constant 0.000000e+00 : f32
    %max3A_19 = vector.broadcast %max3A : f32 to vector<4000x64xf32>
    %max3A_20 = arith.maximumf %add3A_18, %max3A_19 : vector<4000x64xf32>
    %broadcast_in_dim3A = arith.constant 1.000000e+00 : f32
    %broadcast_in_dim3A_21 = vector.broadcast %broadcast_in_dim3A : f32 to vector<4000x1xf32>
    %broadcast_in_dim3A_22 = arith.constant 0.000000e+00 : f32
    %broadcast_in_dim3A_23 = vector.broadcast %broadcast_in_dim3A_22 : f32 to vector<4000x63xf32>
    %concatenate3A = tpu.concatenate %max3A_20, %broadcast_in_dim3A_21, %broadcast_in_dim3A_23 in 1 : vector<4000x64xf32>, vector<4000x1xf32>, vector<4000x63xf32> -> vector<4000x128xf32>
    %broadcast_in_dim3A_24 = arith.constant -1.000000e+00 : f32
    %broadcast_in_dim3A_25 = vector.broadcast %broadcast_in_dim3A_24 : f32 to vector<1x1xf32>
    %slice3A = vector.extract_strided_slice %get3A_3 {offsets = [0, 0], sizes = [3999, 1], strides = [1, 1]} : vector<4000x1xf32> to vector<3999x1xf32>
    %concatenate3A_26 = tpu.concatenate %broadcast_in_dim3A_25, %slice3A in 0 : vector<1x1xf32>, vector<3999x1xf32> -> vector<4000x1xf32>
    %eq3A_27 = arith.cmpf oeq, %get3A_3, %concatenate3A_26 : vector<4000x1xf32>
    %convert_element_type3A_28 = arith.extui %eq3A_27 : vector<4000x1xi1> to vector<4000x1xi32>
    %convert_element_type3A_29 = arith.sitofp %convert_element_type3A_28 : vector<4000x1xi32> to vector<4000x1xf32>
    %broadcast_in_dim3A_30 = arith.constant 0.000000e+00 : f32
    %broadcast_in_dim3A_31 = vector.broadcast %broadcast_in_dim3A_30 : f32 to vector<1x128xf32>
    %slice3A_32 = vector.extract_strided_slice %concatenate3A {offsets = [0, 0], sizes = [3999, 128], strides = [1, 1]} : vector<4000x128xf32> to vector<3999x128xf32>
    %concatenate3A_33 = tpu.concatenate %broadcast_in_dim3A_31, %slice3A_32 in 0 : vector<1x128xf32>, vector<3999x128xf32> -> vector<4000x128xf32>
    %mul3A_34 = vector.broadcast %convert_element_type3A_29 : vector<4000x1xf32> to vector<4000x128xf32>
    %mul3A_35 = arith.mulf %concatenate3A_33, %mul3A_34 : vector<4000x128xf32>
    %add3A_36 = arith.addf %concatenate3A, %mul3A_35 : vector<4000x128xf32>
    %broadcast_in_dim3A_37 = arith.constant -1.000000e+00 : f32
    %broadcast_in_dim3A_38 = vector.broadcast %broadcast_in_dim3A_37 : f32 to vector<2x1xf32>
    %slice3A_39 = vector.extract_strided_slice %get3A_3 {offsets = [0, 0], sizes = [3998, 1], strides = [1, 1]} : vector<4000x1xf32> to vector<3998x1xf32>
    %concatenate3A_40 = tpu.concatenate %broadcast_in_dim3A_38, %slice3A_39 in 0 : vector<2x1xf32>, vector<3998x1xf32> -> vector<4000x1xf32>
    %eq3A_41 = arith.cmpf oeq, %get3A_3, %concatenate3A_40 : vector<4000x1xf32>
    %convert_element_type3A_42 = arith.extui %eq3A_41 : vector<4000x1xi1> to vector<4000x1xi32>
    %convert_element_type3A_43 = arith.sitofp %convert_element_type3A_42 : vector<4000x1xi32> to vector<4000x1xf32>
    %broadcast_in_dim3A_44 = arith.constant 0.000000e+00 : f32
    %broadcast_in_dim3A_45 = vector.broadcast %broadcast_in_dim3A_44 : f32 to vector<2x128xf32>
    %slice3A_46 = vector.extract_strided_slice %add3A_36 {offsets = [0, 0], sizes = [3998, 128], strides = [1, 1]} : vector<4000x128xf32> to vector<3998x128xf32>
    %concatenate3A_47 = tpu.concatenate %broadcast_in_dim3A_45, %slice3A_46 in 0 : vector<2x128xf32>, vector<3998x128xf32> -> vector<4000x128xf32>
    %mul3A_48 = vector.broadcast %convert_element_type3A_43 : vector<4000x1xf32> to vector<4000x128xf32>
    %mul3A_49 = arith.mulf %concatenate3A_47, %mul3A_48 : vector<4000x128xf32>
    %add3A_50 = arith.addf %add3A_36, %mul3A_49 : vector<4000x128xf32>
    %broadcast_in_dim3A_51 = arith.constant -1.000000e+00 : f32
    %broadcast_in_dim3A_52 = vector.broadcast %broadcast_in_dim3A_51 : f32 to vector<4x1xf32>
    %slice3A_53 = vector.extract_strided_slice %get3A_3 {offsets = [0, 0], sizes = [3996, 1], strides = [1, 1]} : vector<4000x1xf32> to vector<3996x1xf32>
    %concatenate3A_54 = tpu.concatenate %broadcast_in_dim3A_52, %slice3A_53 in 0 : vector<4x1xf32>, vector<3996x1xf32> -> vector<4000x1xf32>
    %eq3A_55 = arith.cmpf oeq, %get3A_3, %concatenate3A_54 : vector<4000x1xf32>
    %convert_element_type3A_56 = arith.extui %eq3A_55 : vector<4000x1xi1> to vector<4000x1xi32>
    %convert_element_type3A_57 = arith.sitofp %convert_element_type3A_56 : vector<4000x1xi32> to vector<4000x1xf32>
    %broadcast_in_dim3A_58 = arith.constant 0.000000e+00 : f32
    %broadcast_in_dim3A_59 = vector.broadcast %broadcast_in_dim3A_58 : f32 to vector<4x128xf32>
    %slice3A_60 = vector.extract_strided_slice %add3A_50 {offsets = [0, 0], sizes = [3996, 128], strides = [1, 1]} : vector<4000x128xf32> to vector<3996x128xf32>
    %concatenate3A_61 = tpu.concatenate %broadcast_in_dim3A_59, %slice3A_60 in 0 : vector<4x128xf32>, vector<3996x128xf32> -> vector<4000x128xf32>
    %mul3A_62 = vector.broadcast %convert_element_type3A_57 : vector<4000x1xf32> to vector<4000x128xf32>
    %mul3A_63 = arith.mulf %concatenate3A_61, %mul3A_62 : vector<4000x128xf32>
    %add3A_64 = arith.addf %add3A_50, %mul3A_63 : vector<4000x128xf32>
    %broadcast_in_dim3A_65 = arith.constant -1.000000e+00 : f32
    %broadcast_in_dim3A_66 = vector.broadcast %broadcast_in_dim3A_65 : f32 to vector<8x1xf32>
    %slice3A_67 = vector.extract_strided_slice %get3A_3 {offsets = [0, 0], sizes = [3992, 1], strides = [1, 1]} : vector<4000x1xf32> to vector<3992x1xf32>
    %concatenate3A_68 = tpu.concatenate %broadcast_in_dim3A_66, %slice3A_67 in 0 : vector<8x1xf32>, vector<3992x1xf32> -> vector<4000x1xf32>
    %eq3A_69 = arith.cmpf oeq, %get3A_3, %concatenate3A_68 : vector<4000x1xf32>
    %convert_element_type3A_70 = arith.extui %eq3A_69 : vector<4000x1xi1> to vector<4000x1xi32>
    %convert_element_type3A_71 = arith.sitofp %convert_element_type3A_70 : vector<4000x1xi32> to vector<4000x1xf32>
    %broadcast_in_dim3A_72 = arith.constant 0.000000e+00 : f32
    %broadcast_in_dim3A_73 = vector.broadcast %broadcast_in_dim3A_72 : f32 to vector<8x128xf32>
    %slice3A_74 = vector.extract_strided_slice %add3A_64 {offsets = [0, 0], sizes = [3992, 128], strides = [1, 1]} : vector<4000x128xf32> to vector<3992x128xf32>
    %concatenate3A_75 = tpu.concatenate %broadcast_in_dim3A_73, %slice3A_74 in 0 : vector<8x128xf32>, vector<3992x128xf32> -> vector<4000x128xf32>
    %mul3A_76 = vector.broadcast %convert_element_type3A_71 : vector<4000x1xf32> to vector<4000x128xf32>
    %mul3A_77 = arith.mulf %concatenate3A_75, %mul3A_76 : vector<4000x128xf32>
    %add3A_78 = arith.addf %add3A_64, %mul3A_77 : vector<4000x128xf32>
    %broadcast_in_dim3A_79 = arith.constant -1.000000e+00 : f32
    %broadcast_in_dim3A_80 = vector.broadcast %broadcast_in_dim3A_79 : f32 to vector<16x1xf32>
    %slice3A_81 = vector.extract_strided_slice %get3A_3 {offsets = [0, 0], sizes = [3984, 1], strides = [1, 1]} : vector<4000x1xf32> to vector<3984x1xf32>
    %concatenate3A_82 = tpu.concatenate %broadcast_in_dim3A_80, %slice3A_81 in 0 : vector<16x1xf32>, vector<3984x1xf32> -> vector<4000x1xf32>
    %eq3A_83 = arith.cmpf oeq, %get3A_3, %concatenate3A_82 : vector<4000x1xf32>
    %convert_element_type3A_84 = arith.extui %eq3A_83 : vector<4000x1xi1> to vector<4000x1xi32>
    %convert_element_type3A_85 = arith.sitofp %convert_element_type3A_84 : vector<4000x1xi32> to vector<4000x1xf32>
    %broadcast_in_dim3A_86 = arith.constant 0.000000e+00 : f32
    %broadcast_in_dim3A_87 = vector.broadcast %broadcast_in_dim3A_86 : f32 to vector<16x128xf32>
    %slice3A_88 = vector.extract_strided_slice %add3A_78 {offsets = [0, 0], sizes = [3984, 128], strides = [1, 1]} : vector<4000x128xf32> to vector<3984x128xf32>
    %concatenate3A_89 = tpu.concatenate %broadcast_in_dim3A_87, %slice3A_88 in 0 : vector<16x128xf32>, vector<3984x128xf32> -> vector<4000x128xf32>
    %mul3A_90 = vector.broadcast %convert_element_type3A_85 : vector<4000x1xf32> to vector<4000x128xf32>
    %mul3A_91 = arith.mulf %concatenate3A_89, %mul3A_90 : vector<4000x128xf32>
    %add3A_92 = arith.addf %add3A_78, %mul3A_91 : vector<4000x128xf32>
    %broadcast_in_dim3A_93 = arith.constant -1.000000e+00 : f32
    %broadcast_in_dim3A_94 = vector.broadcast %broadcast_in_dim3A_93 : f32 to vector<32x1xf32>
    %slice3A_95 = vector.extract_strided_slice %get3A_3 {offsets = [0, 0], sizes = [3968, 1], strides = [1, 1]} : vector<4000x1xf32> to vector<3968x1xf32>
    %concatenate3A_96 = tpu.concatenate %broadcast_in_dim3A_94, %slice3A_95 in 0 : vector<32x1xf32>, vector<3968x1xf32> -> vector<4000x1xf32>
    %eq3A_97 = arith.cmpf oeq, %get3A_3, %concatenate3A_96 : vector<4000x1xf32>
    %convert_element_type3A_98 = arith.extui %eq3A_97 : vector<4000x1xi1> to vector<4000x1xi32>
    %convert_element_type3A_99 = arith.sitofp %convert_element_type3A_98 : vector<4000x1xi32> to vector<4000x1xf32>
    %broadcast_in_dim3A_100 = arith.constant 0.000000e+00 : f32
    %broadcast_in_dim3A_101 = vector.broadcast %broadcast_in_dim3A_100 : f32 to vector<32x128xf32>
    %slice3A_102 = vector.extract_strided_slice %add3A_92 {offsets = [0, 0], sizes = [3968, 128], strides = [1, 1]} : vector<4000x128xf32> to vector<3968x128xf32>
    %concatenate3A_103 = tpu.concatenate %broadcast_in_dim3A_101, %slice3A_102 in 0 : vector<32x128xf32>, vector<3968x128xf32> -> vector<4000x128xf32>
    %mul3A_104 = vector.broadcast %convert_element_type3A_99 : vector<4000x1xf32> to vector<4000x128xf32>
    %mul3A_105 = arith.mulf %concatenate3A_103, %mul3A_104 : vector<4000x128xf32>
    %add3A_106 = arith.addf %add3A_92, %mul3A_105 : vector<4000x128xf32>
    %broadcast_in_dim3A_107 = arith.constant -1.000000e+00 : f32
    %broadcast_in_dim3A_108 = vector.broadcast %broadcast_in_dim3A_107 : f32 to vector<64x1xf32>
    %slice3A_109 = vector.extract_strided_slice %get3A_3 {offsets = [0, 0], sizes = [3936, 1], strides = [1, 1]} : vector<4000x1xf32> to vector<3936x1xf32>
    %concatenate3A_110 = tpu.concatenate %broadcast_in_dim3A_108, %slice3A_109 in 0 : vector<64x1xf32>, vector<3936x1xf32> -> vector<4000x1xf32>
    %eq3A_111 = arith.cmpf oeq, %get3A_3, %concatenate3A_110 : vector<4000x1xf32>
    %convert_element_type3A_112 = arith.extui %eq3A_111 : vector<4000x1xi1> to vector<4000x1xi32>
    %convert_element_type3A_113 = arith.sitofp %convert_element_type3A_112 : vector<4000x1xi32> to vector<4000x1xf32>
    %broadcast_in_dim3A_114 = arith.constant 0.000000e+00 : f32
    %broadcast_in_dim3A_115 = vector.broadcast %broadcast_in_dim3A_114 : f32 to vector<64x128xf32>
    %slice3A_116 = vector.extract_strided_slice %add3A_106 {offsets = [0, 0], sizes = [3936, 128], strides = [1, 1]} : vector<4000x128xf32> to vector<3936x128xf32>
    %concatenate3A_117 = tpu.concatenate %broadcast_in_dim3A_115, %slice3A_116 in 0 : vector<64x128xf32>, vector<3936x128xf32> -> vector<4000x128xf32>
    %mul3A_118 = vector.broadcast %convert_element_type3A_113 : vector<4000x1xf32> to vector<4000x128xf32>
    %mul3A_119 = arith.mulf %concatenate3A_117, %mul3A_118 : vector<4000x128xf32>
    %add3A_120 = arith.addf %add3A_106, %mul3A_119 : vector<4000x128xf32>
    %broadcast_in_dim3A_121 = arith.constant -1.000000e+00 : f32
    %broadcast_in_dim3A_122 = vector.broadcast %broadcast_in_dim3A_121 : f32 to vector<128x1xf32>
    %slice3A_123 = vector.extract_strided_slice %get3A_3 {offsets = [0, 0], sizes = [3872, 1], strides = [1, 1]} : vector<4000x1xf32> to vector<3872x1xf32>
    %concatenate3A_124 = tpu.concatenate %broadcast_in_dim3A_122, %slice3A_123 in 0 : vector<128x1xf32>, vector<3872x1xf32> -> vector<4000x1xf32>
    %eq3A_125 = arith.cmpf oeq, %get3A_3, %concatenate3A_124 : vector<4000x1xf32>
    %convert_element_type3A_126 = arith.extui %eq3A_125 : vector<4000x1xi1> to vector<4000x1xi32>
    %convert_element_type3A_127 = arith.sitofp %convert_element_type3A_126 : vector<4000x1xi32> to vector<4000x1xf32>
    %broadcast_in_dim3A_128 = arith.constant 0.000000e+00 : f32
    %broadcast_in_dim3A_129 = vector.broadcast %broadcast_in_dim3A_128 : f32 to vector<128x128xf32>
    %slice3A_130 = vector.extract_strided_slice %add3A_120 {offsets = [0, 0], sizes = [3872, 128], strides = [1, 1]} : vector<4000x128xf32> to vector<3872x128xf32>
    %concatenate3A_131 = tpu.concatenate %broadcast_in_dim3A_129, %slice3A_130 in 0 : vector<128x128xf32>, vector<3872x128xf32> -> vector<4000x128xf32>
    %mul3A_132 = vector.broadcast %convert_element_type3A_127 : vector<4000x1xf32> to vector<4000x128xf32>
    %mul3A_133 = arith.mulf %concatenate3A_131, %mul3A_132 : vector<4000x128xf32>
    %add3A_134 = arith.addf %add3A_120, %mul3A_133 : vector<4000x128xf32>
    %broadcast_in_dim3A_135 = arith.constant -1.000000e+00 : f32
    %broadcast_in_dim3A_136 = vector.broadcast %broadcast_in_dim3A_135 : f32 to vector<256x1xf32>
    %slice3A_137 = vector.extract_strided_slice %get3A_3 {offsets = [0, 0], sizes = [3744, 1], strides = [1, 1]} : vector<4000x1xf32> to vector<3744x1xf32>
    %concatenate3A_138 = tpu.concatenate %broadcast_in_dim3A_136, %slice3A_137 in 0 : vector<256x1xf32>, vector<3744x1xf32> -> vector<4000x1xf32>
    %eq3A_139 = arith.cmpf oeq, %get3A_3, %concatenate3A_138 : vector<4000x1xf32>
    %convert_element_type3A_140 = arith.extui %eq3A_139 : vector<4000x1xi1> to vector<4000x1xi32>
    %convert_element_type3A_141 = arith.sitofp %convert_element_type3A_140 : vector<4000x1xi32> to vector<4000x1xf32>
    %broadcast_in_dim3A_142 = arith.constant 0.000000e+00 : f32
    %broadcast_in_dim3A_143 = vector.broadcast %broadcast_in_dim3A_142 : f32 to vector<256x128xf32>
    %slice3A_144 = vector.extract_strided_slice %add3A_134 {offsets = [0, 0], sizes = [3744, 128], strides = [1, 1]} : vector<4000x128xf32> to vector<3744x128xf32>
    %concatenate3A_145 = tpu.concatenate %broadcast_in_dim3A_143, %slice3A_144 in 0 : vector<256x128xf32>, vector<3744x128xf32> -> vector<4000x128xf32>
    %mul3A_146 = vector.broadcast %convert_element_type3A_141 : vector<4000x1xf32> to vector<4000x128xf32>
    %mul3A_147 = arith.mulf %concatenate3A_145, %mul3A_146 : vector<4000x128xf32>
    %add3A_148 = arith.addf %add3A_134, %mul3A_147 : vector<4000x128xf32>
    %broadcast_in_dim3A_149 = arith.constant -1.000000e+00 : f32
    %broadcast_in_dim3A_150 = vector.broadcast %broadcast_in_dim3A_149 : f32 to vector<512x1xf32>
    %slice3A_151 = vector.extract_strided_slice %get3A_3 {offsets = [0, 0], sizes = [3488, 1], strides = [1, 1]} : vector<4000x1xf32> to vector<3488x1xf32>
    %concatenate3A_152 = tpu.concatenate %broadcast_in_dim3A_150, %slice3A_151 in 0 : vector<512x1xf32>, vector<3488x1xf32> -> vector<4000x1xf32>
    %eq3A_153 = arith.cmpf oeq, %get3A_3, %concatenate3A_152 : vector<4000x1xf32>
    %convert_element_type3A_154 = arith.extui %eq3A_153 : vector<4000x1xi1> to vector<4000x1xi32>
    %convert_element_type3A_155 = arith.sitofp %convert_element_type3A_154 : vector<4000x1xi32> to vector<4000x1xf32>
    %broadcast_in_dim3A_156 = arith.constant 0.000000e+00 : f32
    %broadcast_in_dim3A_157 = vector.broadcast %broadcast_in_dim3A_156 : f32 to vector<512x128xf32>
    %slice3A_158 = vector.extract_strided_slice %add3A_148 {offsets = [0, 0], sizes = [3488, 128], strides = [1, 1]} : vector<4000x128xf32> to vector<3488x128xf32>
    %concatenate3A_159 = tpu.concatenate %broadcast_in_dim3A_157, %slice3A_158 in 0 : vector<512x128xf32>, vector<3488x128xf32> -> vector<4000x128xf32>
    %mul3A_160 = vector.broadcast %convert_element_type3A_155 : vector<4000x1xf32> to vector<4000x128xf32>
    %mul3A_161 = arith.mulf %concatenate3A_159, %mul3A_160 : vector<4000x128xf32>
    %add3A_162 = arith.addf %add3A_148, %mul3A_161 : vector<4000x128xf32>
    %broadcast_in_dim3A_163 = arith.constant -1.000000e+00 : f32
    %broadcast_in_dim3A_164 = vector.broadcast %broadcast_in_dim3A_163 : f32 to vector<1024x1xf32>
    %slice3A_165 = vector.extract_strided_slice %get3A_3 {offsets = [0, 0], sizes = [2976, 1], strides = [1, 1]} : vector<4000x1xf32> to vector<2976x1xf32>
    %concatenate3A_166 = tpu.concatenate %broadcast_in_dim3A_164, %slice3A_165 in 0 : vector<1024x1xf32>, vector<2976x1xf32> -> vector<4000x1xf32>
    %eq3A_167 = arith.cmpf oeq, %get3A_3, %concatenate3A_166 : vector<4000x1xf32>
    %convert_element_type3A_168 = arith.extui %eq3A_167 : vector<4000x1xi1> to vector<4000x1xi32>
    %convert_element_type3A_169 = arith.sitofp %convert_element_type3A_168 : vector<4000x1xi32> to vector<4000x1xf32>
    %broadcast_in_dim3A_170 = arith.constant 0.000000e+00 : f32
    %broadcast_in_dim3A_171 = vector.broadcast %broadcast_in_dim3A_170 : f32 to vector<1024x128xf32>
    %slice3A_172 = vector.extract_strided_slice %add3A_162 {offsets = [0, 0], sizes = [2976, 128], strides = [1, 1]} : vector<4000x128xf32> to vector<2976x128xf32>
    %concatenate3A_173 = tpu.concatenate %broadcast_in_dim3A_171, %slice3A_172 in 0 : vector<1024x128xf32>, vector<2976x128xf32> -> vector<4000x128xf32>
    %mul3A_174 = vector.broadcast %convert_element_type3A_169 : vector<4000x1xf32> to vector<4000x128xf32>
    %mul3A_175 = arith.mulf %concatenate3A_173, %mul3A_174 : vector<4000x128xf32>
    %add3A_176 = arith.addf %add3A_162, %mul3A_175 : vector<4000x128xf32>
    %broadcast_in_dim3A_177 = arith.constant -1.000000e+00 : f32
    %broadcast_in_dim3A_178 = vector.broadcast %broadcast_in_dim3A_177 : f32 to vector<2048x1xf32>
    %slice3A_179 = vector.extract_strided_slice %get3A_3 {offsets = [0, 0], sizes = [1952, 1], strides = [1, 1]} : vector<4000x1xf32> to vector<1952x1xf32>
    %concatenate3A_180 = tpu.concatenate %broadcast_in_dim3A_178, %slice3A_179 in 0 : vector<2048x1xf32>, vector<1952x1xf32> -> vector<4000x1xf32>
    %eq3A_181 = arith.cmpf oeq, %get3A_3, %concatenate3A_180 : vector<4000x1xf32>
    %convert_element_type3A_182 = arith.extui %eq3A_181 : vector<4000x1xi1> to vector<4000x1xi32>
    %convert_element_type3A_183 = arith.sitofp %convert_element_type3A_182 : vector<4000x1xi32> to vector<4000x1xf32>
    %broadcast_in_dim3A_184 = arith.constant 0.000000e+00 : f32
    %broadcast_in_dim3A_185 = vector.broadcast %broadcast_in_dim3A_184 : f32 to vector<2048x128xf32>
    %slice3A_186 = vector.extract_strided_slice %add3A_176 {offsets = [0, 0], sizes = [1952, 128], strides = [1, 1]} : vector<4000x128xf32> to vector<1952x128xf32>
    %concatenate3A_187 = tpu.concatenate %broadcast_in_dim3A_185, %slice3A_186 in 0 : vector<2048x128xf32>, vector<1952x128xf32> -> vector<4000x128xf32>
    %mul3A_188 = vector.broadcast %convert_element_type3A_183 : vector<4000x1xf32> to vector<4000x128xf32>
    %mul3A_189 = arith.mulf %concatenate3A_187, %mul3A_188 : vector<4000x128xf32>
    %add3A_190 = arith.addf %add3A_176, %mul3A_189 : vector<4000x128xf32>
    %get3A_191 = arith.constant 2 : index
    %get3A_192 = arith.constant 0 : index
    %get3A_193 = vector.load %arg8[%get3A_191, %get3A_192] : memref<8x128xf32, #tpu.memory_space<vmem>>, vector<1x1xf32>
    %eq3A_194 = vector.broadcast %get3A_193 : vector<1x1xf32> to vector<4000x1xf32>
    %eq3A_195 = arith.cmpf oeq, %get3A_3, %eq3A_194 : vector<4000x1xf32>
    %convert_element_type3A_196 = arith.extui %eq3A_195 : vector<4000x1xi1> to vector<4000x1xi32>
    %convert_element_type3A_197 = arith.sitofp %convert_element_type3A_196 : vector<4000x1xi32> to vector<4000x1xf32>
    %get3A_198 = arith.constant 0 : index
    %get3A_199 = arith.constant 0 : index
    %get3A_200 = vector.load %arg8[%get3A_198, %get3A_199] : memref<8x128xf32, #tpu.memory_space<vmem>>, vector<1x128xf32>
    %mul3A_201 = vector.broadcast %get3A_200 : vector<1x128xf32> to vector<4000x128xf32>
    %mul3A_202 = vector.broadcast %convert_element_type3A_197 : vector<4000x1xf32> to vector<4000x128xf32>
    %mul3A_203 = arith.mulf %mul3A_201, %mul3A_202 : vector<4000x128xf32>
    %add3A_204 = arith.addf %add3A_190, %mul3A_203 : vector<4000x128xf32>
    %slice3A_205 = vector.extract_strided_slice %add3A_204 {offsets = [0, 0], sizes = [4000, 64], strides = [1, 1]} : vector<4000x128xf32> to vector<4000x64xf32>
    %swap3A = arith.constant 0 : index
    %swap3A_206 = arith.constant 0 : index
    %swap3A_207 = vector.load %arg6[%swap3A, %swap3A_206] : memref<4000x64xf32, #tpu.memory_space<vmem>>, vector<4000x64xf32>
    tpu.vector_store %arg6[%swap3A, %swap3A_206], %slice3A_205 {strides = array<i32>} : memref<4000x64xf32, #tpu.memory_space<vmem>>, vector<4000x64xf32>,
    %slice3A_208 = vector.extract_strided_slice %add3A_204 {offsets = [0, 64], sizes = [4000, 1], strides = [1, 1]} : vector<4000x128xf32> to vector<4000x1xf32>
    %swap3A_209 = arith.constant 0 : index
    %swap3A_210 = arith.constant 0 : index
    %swap3A_211 = vector.load %arg7[%swap3A_209, %swap3A_210] : memref<4000x1xf32, #tpu.memory_space<vmem>>, vector<4000x1xf32>
    tpu.vector_store %arg7[%swap3A_209, %swap3A_210], %slice3A_208 {strides = array<i32>} : memref<4000x1xf32, #tpu.memory_space<vmem>>, vector<4000x1xf32>,
    %slice3A_212 = vector.extract_strided_slice %add3A_204 {offsets = [3999, 0], sizes = [1, 128], strides = [1, 1]} : vector<4000x128xf32> to vector<1x128xf32>
    %swap3A_213 = arith.constant 0 : index
    %swap3A_214 = arith.constant 0 : index
    %swap3A_215 = vector.load %arg8[%swap3A_213, %swap3A_214] : memref<8x128xf32, #tpu.memory_space<vmem>>, vector<1x128xf32>
    tpu.vector_store %arg8[%swap3A_213, %swap3A_214], %slice3A_212 {strides = array<i32>} : memref<8x128xf32, #tpu.memory_space<vmem>>, vector<1x128xf32>,
    %slice3A_216 = vector.extract_strided_slice %get3A_3 {offsets = [3999, 0], sizes = [1, 1], strides = [1, 1]} : vector<4000x1xf32> to vector<1x1xf32>
    %swap3A_217 = arith.constant 2 : index
    %swap3A_218 = arith.constant 0 : index
    %swap3A_219 = vector.load %arg8[%swap3A_217, %swap3A_218] : memref<8x128xf32, #tpu.memory_space<vmem>>, vector<1x1xf32>
    tpu.vector_store %arg8[%swap3A_217, %swap3A_218], %slice3A_216 {strides = array<i32>} : memref<8x128xf32, #tpu.memory_space<vmem>>, vector<1x1xf32>,
    return
  }
  func.func @transform_0(%arg0: i32) -> (i32, i32) {
    %c0_i32 = arith.constant 0 : i32
    %c0_i32_0 = arith.constant 0 : i32
    return %arg0, %c0_i32 : i32, i32
  }
  func.func @transform_1(%arg0: i32) -> (i32, i32) {
    %c0_i32 = arith.constant 0 : i32
    %c0_i32_0 = arith.constant 0 : i32
    return %arg0, %c0_i32 : i32, i32
  }
  func.func @transform_2(%arg0: i32) -> (i32, i32) {
    %c0_i32 = arith.constant 0 : i32
    %c0_i32_0 = arith.constant 0 : i32
    %c0_i32_1 = arith.constant 0 : i32
    return %c0_i32, %c0_i32_0 : i32, i32
  }
  func.func @transform_3(%arg0: i32) -> (i32, i32) {
    %c0_i32 = arith.constant 0 : i32
    %c0_i32_0 = arith.constant 0 : i32
    %c0_i32_1 = arith.constant 0 : i32
    return %c0_i32, %c0_i32_0 : i32, i32
  }
  func.func @transform_4(%arg0: i32) -> (i32, i32) {
    %c0_i32 = arith.constant 0 : i32
    %c0_i32_0 = arith.constant 0 : i32
    %c0_i32_1 = arith.constant 0 : i32
    return %c0_i32, %c0_i32_0 : i32, i32
  }
  func.func @transform_5(%arg0: i32) -> (i32, i32) {
    %c0_i32 = arith.constant 0 : i32
    %c0_i32_0 = arith.constant 0 : i32
    return %arg0, %c0_i32 : i32, i32
  }
  func.func @transform_6(%arg0: i32) -> (i32, i32) {
    %c0_i32 = arith.constant 0 : i32
    %c0_i32_0 = arith.constant 0 : i32
    return %arg0, %c0_i32 : i32, i32
  }
}

module attributes {stable_mosaic.version = 14 : i64} {
  func.func @_mid_kernel(%arg0: i32, %arg1: memref<4000x16xf32, #tpu.memory_space<vmem>>, %arg2: memref<4000x64xf32, #tpu.memory_space<vmem>>, %arg3: memref<4000x1xf32, #tpu.memory_space<vmem>>, %arg4: memref<4000x64xf32, #tpu.memory_space<vmem>>, %arg5: memref<4000x1xf32, #tpu.memory_space<vmem>>, %arg6: memref<16x64xf32, #tpu.memory_space<vmem>>, %arg7: memref<8x64xf32, #tpu.memory_space<vmem>>, %arg8: memref<8x64xf32, #tpu.memory_space<vmem>>, %arg9: memref<128x64xf32, #tpu.memory_space<vmem>>, %arg10: memref<4000x64xf32, #tpu.memory_space<vmem>>, %arg11: memref<8x128xf32, #tpu.memory_space<vmem>>, %arg12: memref<128x128xf32, #tpu.memory_space<vmem>>) attributes {dimension_semantics = [#tpu.dimension_semantics<arbitrary>], iteration_bounds = array<i64: 100>, scalar_prefetch = 0 : i64, scratch_operands = 0 : i64, tpu.core_type = #tpu.core_type<tc>, window_params = [{transform_indices = @transform_0, window_bounds = array<i64: 4000, 16>}, {transform_indices = @transform_1, window_bounds = array<i64: 4000, 64>}, {transform_indices = @transform_2, window_bounds = array<i64: 4000, 1>}, {transform_indices = @transform_3, window_bounds = array<i64: 4000, 64>}, {transform_indices = @transform_4, window_bounds = array<i64: 4000, 1>}, {pipeline_mode = #tpu.pipeline_mode<synchronous>, transform_indices = @transform_5, window_bounds = array<i64: 16, 64>}, {pipeline_mode = #tpu.pipeline_mode<synchronous>, transform_indices = @transform_6, window_bounds = array<i64: 8, 64>}, {pipeline_mode = #tpu.pipeline_mode<synchronous>, transform_indices = @transform_7, window_bounds = array<i64: 8, 64>}, {pipeline_mode = #tpu.pipeline_mode<synchronous>, transform_indices = @transform_8, window_bounds = array<i64: 128, 64>}, {transform_indices = @transform_9, window_bounds = array<i64: 4000, 64>}, {pipeline_mode = #tpu.pipeline_mode<synchronous>, transform_indices = @transform_10, window_bounds = array<i64: 8, 128>}, {pipeline_mode = #tpu.pipeline_mode<synchronous>, transform_indices = @transform_11, window_bounds = array<i64: 128, 128>}]} {
    %eq3A = arith.constant 0 : i32
    %eq3A_0 = arith.cmpi eq, %arg0, %eq3A : i32
    %convert_element_type3A = arith.extui %eq3A_0 : i1 to i32
    %cond3A = arith.constant 0 : i32
    %cond3A_1 = arith.cmpi ne, %convert_element_type3A, %cond3A : i32
    scf.if %cond3A_1 {
      %broadcast_in_dim3A_60 = arith.constant 0.000000e+00 : f32
      %broadcast_in_dim3A_61 = vector.broadcast %broadcast_in_dim3A_60 : f32 to vector<8x128xf32>
      %swap3A_62 = arith.constant 0 : index
      %swap3A_63 = arith.constant 0 : index
      %swap3A_64 = vector.load %arg11[%swap3A_62, %swap3A_63] : memref<8x128xf32, #tpu.memory_space<vmem>>, vector<8x128xf32>
      tpu.vector_store %arg11[%swap3A_62, %swap3A_63], %broadcast_in_dim3A_61 {strides = array<i32>} : memref<8x128xf32, #tpu.memory_space<vmem>>, vector<8x128xf32>,
      %broadcast_in_dim3A_65 = arith.constant 0.000000e+00 : f32
      %broadcast_in_dim3A_66 = vector.broadcast %broadcast_in_dim3A_65 : f32 to vector<128x128xf32>
      %swap3A_67 = arith.constant 0 : index
      %swap3A_68 = arith.constant 0 : index
      %swap3A_69 = vector.load %arg12[%swap3A_67, %swap3A_68] : memref<128x128xf32, #tpu.memory_space<vmem>>, vector<128x128xf32>
      tpu.vector_store %arg12[%swap3A_67, %swap3A_68], %broadcast_in_dim3A_66 {strides = array<i32>} : memref<128x128xf32, #tpu.memory_space<vmem>>, vector<128x128xf32>,
    } else {
    }
    %get3A = arith.constant 0 : index
    %get3A_2 = arith.constant 0 : index
    %get3A_3 = vector.load %arg1[%get3A, %get3A_2] : memref<4000x16xf32, #tpu.memory_space<vmem>>, vector<4000x16xf32>
    %get3A_4 = arith.constant 0 : index
    %get3A_5 = arith.constant 0 : index
    %get3A_6 = vector.load %arg6[%get3A_4, %get3A_5] : memref<16x64xf32, #tpu.memory_space<vmem>>, vector<16x64xf32>
    %dot_general3A = arith.constant dense<0.000000e+00> : vector<4000x64xf32>
    %dot_general3A_7 = tpu.matmul %get3A_3, %get3A_6, %dot_general3A {dimension_numbers = #tpu.dot_dimension_numbers<[1], [0], [0], [1], [0, 0, 1, 1], [], []>, transpose_lhs_hint = false} : vector<4000x16xf32>, vector<16x64xf32>, vector<4000x64xf32> -> vector<4000x64xf32>
    %get3A_8 = arith.constant 0 : index
    %get3A_9 = arith.constant 0 : index
    %get3A_10 = vector.load %arg7[%get3A_8, %get3A_9] : memref<8x64xf32, #tpu.memory_space<vmem>>, vector<1x64xf32>
    %mul3A = vector.broadcast %get3A_10 : vector<1x64xf32> to vector<4000x64xf32>
    %mul3A_11 = arith.mulf %dot_general3A_7, %mul3A : vector<4000x64xf32>
    %get3A_12 = arith.constant 0 : index
    %get3A_13 = arith.constant 0 : index
    %get3A_14 = vector.load %arg8[%get3A_12, %get3A_13] : memref<8x64xf32, #tpu.memory_space<vmem>>, vector<1x64xf32>
    %add3A = vector.broadcast %get3A_14 : vector<1x64xf32> to vector<4000x64xf32>
    %add3A_15 = arith.addf %mul3A_11, %add3A : vector<4000x64xf32>
    %max3A = arith.constant 0.000000e+00 : f32
    %max3A_16 = vector.broadcast %max3A : f32 to vector<4000x64xf32>
    %max3A_17 = arith.maximumf %add3A_15, %max3A_16 : vector<4000x64xf32>
    %get3A_18 = arith.constant 0 : index
    %get3A_19 = arith.constant 0 : index
    %get3A_20 = vector.load %arg2[%get3A_18, %get3A_19] : memref<4000x64xf32, #tpu.memory_space<vmem>>, vector<4000x64xf32>
    %get3A_21 = arith.constant 0 : index
    %get3A_22 = arith.constant 0 : index
    %get3A_23 = vector.load %arg4[%get3A_21, %get3A_22] : memref<4000x64xf32, #tpu.memory_space<vmem>>, vector<4000x64xf32>
    %add3A_24 = arith.addf %get3A_20, %get3A_23 : vector<4000x64xf32>
    %sub3A = arith.subf %add3A_24, %max3A_17 : vector<4000x64xf32>
    %get3A_25 = arith.constant 0 : index
    %get3A_26 = arith.constant 0 : index
    %get3A_27 = vector.load %arg3[%get3A_25, %get3A_26] : memref<4000x1xf32, #tpu.memory_space<vmem>>, vector<4000x1xf32>
    %get3A_28 = arith.constant 0 : index
    %get3A_29 = arith.constant 0 : index
    %get3A_30 = vector.load %arg5[%get3A_28, %get3A_29] : memref<4000x1xf32, #tpu.memory_space<vmem>>, vector<4000x1xf32>
    %add3A_31 = arith.addf %get3A_27, %get3A_30 : vector<4000x1xf32>
    %sub3A_32 = arith.constant 1.000000e+00 : f32
    %sub3A_33 = vector.broadcast %sub3A_32 : f32 to vector<4000x1xf32>
    %sub3A_34 = arith.subf %add3A_31, %sub3A_33 : vector<4000x1xf32>
    %div3A = vector.broadcast %sub3A_34 : vector<4000x1xf32> to vector<4000x64xf32>
    %div3A_35 = arith.divf %sub3A, %div3A : vector<4000x64xf32>
    %concatenate3A = tpu.concatenate %max3A_17, %div3A_35 in 1 : vector<4000x64xf32>, vector<4000x64xf32> -> vector<4000x128xf32>
    %get3A_36 = arith.constant 0 : index
    %get3A_37 = arith.constant 0 : index
    %get3A_38 = vector.load %arg9[%get3A_36, %get3A_37] : memref<128x64xf32, #tpu.memory_space<vmem>>, vector<128x64xf32>
    %dot_general3A_39 = arith.constant dense<0.000000e+00> : vector<4000x64xf32>
    %dot_general3A_40 = tpu.matmul %concatenate3A, %get3A_38, %dot_general3A_39 {dimension_numbers = #tpu.dot_dimension_numbers<[1], [0], [0], [1], [0, 0, 1, 1], [], []>, transpose_lhs_hint = false} : vector<4000x128xf32>, vector<128x64xf32>, vector<4000x64xf32> -> vector<4000x64xf32>
    %swap3A = arith.constant 0 : index
    %swap3A_41 = arith.constant 0 : index
    %swap3A_42 = vector.load %arg10[%swap3A, %swap3A_41] : memref<4000x64xf32, #tpu.memory_space<vmem>>, vector<4000x64xf32>
    tpu.vector_store %arg10[%swap3A, %swap3A_41], %dot_general3A_40 {strides = array<i32>} : memref<4000x64xf32, #tpu.memory_space<vmem>>, vector<4000x64xf32>,
    %get3A_43 = arith.constant 0 : index
    %get3A_44 = arith.constant 0 : index
    %get3A_45 = vector.load %arg11[%get3A_43, %get3A_44] : memref<8x128xf32, #tpu.memory_space<vmem>>, vector<1x128xf32>
    %reduce_sum3A = arith.constant dense<0.000000e+00> : vector<128xf32>
    %reduce_sum3A_46 = vector.multi_reduction <add>, %concatenate3A, %reduce_sum3A [0] : vector<4000x128xf32> to vector<128xf32>
    %broadcast_in_dim3A = vector.shape_cast %reduce_sum3A_46 : vector<128xf32> to vector<1x128xf32>
    %add3A_47 = arith.addf %get3A_45, %broadcast_in_dim3A : vector<1x128xf32>
    %swap3A_48 = arith.constant 0 : index
    %swap3A_49 = arith.constant 0 : index
    %swap3A_50 = vector.load %arg11[%swap3A_48, %swap3A_49] : memref<8x128xf32, #tpu.memory_space<vmem>>, vector<1x128xf32>
    tpu.vector_store %arg11[%swap3A_48, %swap3A_49], %add3A_47 {strides = array<i32>} : memref<8x128xf32, #tpu.memory_space<vmem>>, vector<1x128xf32>,
    %get3A_51 = arith.constant 0 : index
    %get3A_52 = arith.constant 0 : index
    %get3A_53 = vector.load %arg12[%get3A_51, %get3A_52] : memref<128x128xf32, #tpu.memory_space<vmem>>, vector<128x128xf32>
    %dot_general3A_54 = arith.constant dense<0.000000e+00> : vector<128x128xf32>
    %dot_general3A_55 = tpu.matmul %concatenate3A, %concatenate3A, %dot_general3A_54 {dimension_numbers = #tpu.dot_dimension_numbers<[0], [0], [1], [1], [0, 1, 1, 1], [], []>, transpose_lhs_hint = false} : vector<4000x128xf32>, vector<4000x128xf32>, vector<128x128xf32> -> vector<128x128xf32>
    %add3A_56 = arith.addf %get3A_53, %dot_general3A_55 : vector<128x128xf32>
    %swap3A_57 = arith.constant 0 : index
    %swap3A_58 = arith.constant 0 : index
    %swap3A_59 = vector.load %arg12[%swap3A_57, %swap3A_58] : memref<128x128xf32, #tpu.memory_space<vmem>>, vector<128x128xf32>
    tpu.vector_store %arg12[%swap3A_57, %swap3A_58], %add3A_56 {strides = array<i32>} : memref<128x128xf32, #tpu.memory_space<vmem>>, vector<128x128xf32>,
    return
  }
  func.func @transform_0(%arg0: i32) -> (i32, i32) {
    %c0_i32 = arith.constant 0 : i32
    %c0_i32_0 = arith.constant 0 : i32
    return %arg0, %c0_i32 : i32, i32
  }
  func.func @transform_1(%arg0: i32) -> (i32, i32) {
    %c0_i32 = arith.constant 0 : i32
    %c0_i32_0 = arith.constant 0 : i32
    return %arg0, %c0_i32 : i32, i32
  }
  func.func @transform_2(%arg0: i32) -> (i32, i32) {
    %c0_i32 = arith.constant 0 : i32
    %c0_i32_0 = arith.constant 0 : i32
    return %arg0, %c0_i32 : i32, i32
  }
  func.func @transform_3(%arg0: i32) -> (i32, i32) {
    %c0_i32 = arith.constant 0 : i32
    %c0_i32_0 = arith.constant 0 : i32
    return %arg0, %c0_i32 : i32, i32
  }
  func.func @transform_4(%arg0: i32) -> (i32, i32) {
    %c0_i32 = arith.constant 0 : i32
    %c0_i32_0 = arith.constant 0 : i32
    return %arg0, %c0_i32 : i32, i32
  }
  func.func @transform_5(%arg0: i32) -> (i32, i32) {
    %c0_i32 = arith.constant 0 : i32
    %c0_i32_0 = arith.constant 0 : i32
    %c0_i32_1 = arith.constant 0 : i32
    return %c0_i32, %c0_i32_0 : i32, i32
  }
  func.func @transform_6(%arg0: i32) -> (i32, i32) {
    %c0_i32 = arith.constant 0 : i32
    %c0_i32_0 = arith.constant 0 : i32
    %c0_i32_1 = arith.constant 0 : i32
    return %c0_i32, %c0_i32_0 : i32, i32
  }
  func.func @transform_7(%arg0: i32) -> (i32, i32) {
    %c0_i32 = arith.constant 0 : i32
    %c0_i32_0 = arith.constant 0 : i32
    %c0_i32_1 = arith.constant 0 : i32
    return %c0_i32, %c0_i32_0 : i32, i32
  }
  func.func @transform_8(%arg0: i32) -> (i32, i32) {
    %c0_i32 = arith.constant 0 : i32
    %c0_i32_0 = arith.constant 0 : i32
    %c0_i32_1 = arith.constant 0 : i32
    return %c0_i32, %c0_i32_0 : i32, i32
  }
  func.func @transform_9(%arg0: i32) -> (i32, i32) {
    %c0_i32 = arith.constant 0 : i32
    %c0_i32_0 = arith.constant 0 : i32
    return %arg0, %c0_i32 : i32, i32
  }
  func.func @transform_10(%arg0: i32) -> (i32, i32) {
    %c0_i32 = arith.constant 0 : i32
    %c0_i32_0 = arith.constant 0 : i32
    %c0_i32_1 = arith.constant 0 : i32
    return %c0_i32, %c0_i32_0 : i32, i32
  }
  func.func @transform_11(%arg0: i32) -> (i32, i32) {
    %c0_i32 = arith.constant 0 : i32
    %c0_i32_0 = arith.constant 0 : i32
    %c0_i32_1 = arith.constant 0 : i32
    return %c0_i32, %c0_i32_0 : i32, i32
  }
}

module attributes {stable_mosaic.version = 14 : i64} {
  func.func @_segmax_kernel(%arg0: i32, %arg1: memref<4000x64xf32, #tpu.memory_space<vmem>>, %arg2: memref<4000x1xf32, #tpu.memory_space<vmem>>, %arg3: memref<8x64xf32, #tpu.memory_space<vmem>>, %arg4: memref<8x64xf32, #tpu.memory_space<vmem>>, %arg5: memref<4000x64xf32, #tpu.memory_space<vmem>>, %arg6: memref<8x128xf32, #tpu.memory_space<vmem>>) attributes {dimension_semantics = [#tpu.dimension_semantics<arbitrary>], iteration_bounds = array<i64: 100>, scalar_prefetch = 0 : i64, scratch_operands = 1 : i64, tpu.core_type = #tpu.core_type<tc>, window_params = [{transform_indices = @transform_0, window_bounds = array<i64: 4000, 64>}, {transform_indices = @transform_1, window_bounds = array<i64: 4000, 1>}, {pipeline_mode = #tpu.pipeline_mode<synchronous>, transform_indices = @transform_2, window_bounds = array<i64: 8, 64>}, {pipeline_mode = #tpu.pipeline_mode<synchronous>, transform_indices = @transform_3, window_bounds = array<i64: 8, 64>}, {transform_indices = @transform_4, window_bounds = array<i64: 4000, 64>}]} {
    %eq3A = arith.constant 0 : i32
    %eq3A_0 = arith.cmpi eq, %arg0, %eq3A : i32
    %convert_element_type3A = arith.extui %eq3A_0 : i1 to i32
    %cond3A = arith.constant 0 : i32
    %cond3A_1 = arith.cmpi ne, %convert_element_type3A, %cond3A : i32
    scf.if %cond3A_1 {
      %broadcast_in_dim3A_206 = arith.constant 0.000000e+00 : f32
      %broadcast_in_dim3A_207 = vector.broadcast %broadcast_in_dim3A_206 : f32 to vector<8x128xf32>
      %swap3A_208 = arith.constant 0 : index
      %swap3A_209 = arith.constant 0 : index
      %swap3A_210 = vector.load %arg6[%swap3A_208, %swap3A_209] : memref<8x128xf32, #tpu.memory_space<vmem>>, vector<8x128xf32>
      tpu.vector_store %arg6[%swap3A_208, %swap3A_209], %broadcast_in_dim3A_207 {strides = array<i32>} : memref<8x128xf32, #tpu.memory_space<vmem>>, vector<8x128xf32>,
      %broadcast_in_dim3A_211 = arith.constant -1.000000e+00 : f32
      %broadcast_in_dim3A_212 = vector.broadcast %broadcast_in_dim3A_211 : f32 to vector<1x1xf32>
      %swap3A_213 = arith.constant 2 : index
      %swap3A_214 = arith.constant 0 : index
      %swap3A_215 = vector.load %arg6[%swap3A_213, %swap3A_214] : memref<8x128xf32, #tpu.memory_space<vmem>>, vector<1x1xf32>
      tpu.vector_store %arg6[%swap3A_213, %swap3A_214], %broadcast_in_dim3A_212 {strides = array<i32>} : memref<8x128xf32, #tpu.memory_space<vmem>>, vector<1x1xf32>,
    } else {
    }
    %get3A = arith.constant 0 : index
    %get3A_2 = arith.constant 0 : index
    %get3A_3 = vector.load %arg2[%get3A, %get3A_2] : memref<4000x1xf32, #tpu.memory_space<vmem>>, vector<4000x1xf32>
    %get3A_4 = arith.constant 0 : index
    %get3A_5 = arith.constant 0 : index
    %get3A_6 = vector.load %arg1[%get3A_4, %get3A_5] : memref<4000x64xf32, #tpu.memory_space<vmem>>, vector<4000x64xf32>
    %get3A_7 = arith.constant 0 : index
    %get3A_8 = arith.constant 0 : index
    %get3A_9 = vector.load %arg3[%get3A_7, %get3A_8] : memref<8x64xf32, #tpu.memory_space<vmem>>, vector<1x64xf32>
    %mul3A = vector.broadcast %get3A_9 : vector<1x64xf32> to vector<4000x64xf32>
    %mul3A_10 = arith.mulf %get3A_6, %mul3A : vector<4000x64xf32>
    %get3A_11 = arith.constant 0 : index
    %get3A_12 = arith.constant 0 : index
    %get3A_13 = vector.load %arg4[%get3A_11, %get3A_12] : memref<8x64xf32, #tpu.memory_space<vmem>>, vector<1x64xf32>
    %add3A = vector.broadcast %get3A_13 : vector<1x64xf32> to vector<4000x64xf32>
    %add3A_14 = arith.addf %mul3A_10, %add3A : vector<4000x64xf32>
    %max3A = arith.constant 0.000000e+00 : f32
    %max3A_15 = vector.broadcast %max3A : f32 to vector<4000x64xf32>
    %max3A_16 = arith.maximumf %add3A_14, %max3A_15 : vector<4000x64xf32>
    %broadcast_in_dim3A = arith.constant -1.000000e+00 : f32
    %broadcast_in_dim3A_17 = vector.broadcast %broadcast_in_dim3A : f32 to vector<1x1xf32>
    %slice3A = vector.extract_strided_slice %get3A_3 {offsets = [0, 0], sizes = [3999, 1], strides = [1, 1]} : vector<4000x1xf32> to vector<3999x1xf32>
    %concatenate3A = tpu.concatenate %broadcast_in_dim3A_17, %slice3A in 0 : vector<1x1xf32>, vector<3999x1xf32> -> vector<4000x1xf32>
    %eq3A_18 = arith.cmpf oeq, %get3A_3, %concatenate3A : vector<4000x1xf32>
    %convert_element_type3A_19 = arith.extui %eq3A_18 : vector<4000x1xi1> to vector<4000x1xi32>
    %convert_element_type3A_20 = arith.sitofp %convert_element_type3A_19 : vector<4000x1xi32> to vector<4000x1xf32>
    %broadcast_in_dim3A_21 = arith.constant 0.000000e+00 : f32
    %broadcast_in_dim3A_22 = vector.broadcast %broadcast_in_dim3A_21 : f32 to vector<1x64xf32>
    %slice3A_23 = vector.extract_strided_slice %max3A_16 {offsets = [0, 0], sizes = [3999, 64], strides = [1, 1]} : vector<4000x64xf32> to vector<3999x64xf32>
    %concatenate3A_24 = tpu.concatenate %broadcast_in_dim3A_22, %slice3A_23 in 0 : vector<1x64xf32>, vector<3999x64xf32> -> vector<4000x64xf32>
    %mul3A_25 = vector.broadcast %convert_element_type3A_20 : vector<4000x1xf32> to vector<4000x64xf32>
    %mul3A_26 = arith.mulf %concatenate3A_24, %mul3A_25 : vector<4000x64xf32>
    %max3A_27 = arith.maximumf %max3A_16, %mul3A_26 : vector<4000x64xf32>
    %broadcast_in_dim3A_28 = arith.constant -1.000000e+00 : f32
    %broadcast_in_dim3A_29 = vector.broadcast %broadcast_in_dim3A_28 : f32 to vector<2x1xf32>
    %slice3A_30 = vector.extract_strided_slice %get3A_3 {offsets = [0, 0], sizes = [3998, 1], strides = [1, 1]} : vector<4000x1xf32> to vector<3998x1xf32>
    %concatenate3A_31 = tpu.concatenate %broadcast_in_dim3A_29, %slice3A_30 in 0 : vector<2x1xf32>, vector<3998x1xf32> -> vector<4000x1xf32>
    %eq3A_32 = arith.cmpf oeq, %get3A_3, %concatenate3A_31 : vector<4000x1xf32>
    %convert_element_type3A_33 = arith.extui %eq3A_32 : vector<4000x1xi1> to vector<4000x1xi32>
    %convert_element_type3A_34 = arith.sitofp %convert_element_type3A_33 : vector<4000x1xi32> to vector<4000x1xf32>
    %broadcast_in_dim3A_35 = arith.constant 0.000000e+00 : f32
    %broadcast_in_dim3A_36 = vector.broadcast %broadcast_in_dim3A_35 : f32 to vector<2x64xf32>
    %slice3A_37 = vector.extract_strided_slice %max3A_27 {offsets = [0, 0], sizes = [3998, 64], strides = [1, 1]} : vector<4000x64xf32> to vector<3998x64xf32>
    %concatenate3A_38 = tpu.concatenate %broadcast_in_dim3A_36, %slice3A_37 in 0 : vector<2x64xf32>, vector<3998x64xf32> -> vector<4000x64xf32>
    %mul3A_39 = vector.broadcast %convert_element_type3A_34 : vector<4000x1xf32> to vector<4000x64xf32>
    %mul3A_40 = arith.mulf %concatenate3A_38, %mul3A_39 : vector<4000x64xf32>
    %max3A_41 = arith.maximumf %max3A_27, %mul3A_40 : vector<4000x64xf32>
    %broadcast_in_dim3A_42 = arith.constant -1.000000e+00 : f32
    %broadcast_in_dim3A_43 = vector.broadcast %broadcast_in_dim3A_42 : f32 to vector<4x1xf32>
    %slice3A_44 = vector.extract_strided_slice %get3A_3 {offsets = [0, 0], sizes = [3996, 1], strides = [1, 1]} : vector<4000x1xf32> to vector<3996x1xf32>
    %concatenate3A_45 = tpu.concatenate %broadcast_in_dim3A_43, %slice3A_44 in 0 : vector<4x1xf32>, vector<3996x1xf32> -> vector<4000x1xf32>
    %eq3A_46 = arith.cmpf oeq, %get3A_3, %concatenate3A_45 : vector<4000x1xf32>
    %convert_element_type3A_47 = arith.extui %eq3A_46 : vector<4000x1xi1> to vector<4000x1xi32>
    %convert_element_type3A_48 = arith.sitofp %convert_element_type3A_47 : vector<4000x1xi32> to vector<4000x1xf32>
    %broadcast_in_dim3A_49 = arith.constant 0.000000e+00 : f32
    %broadcast_in_dim3A_50 = vector.broadcast %broadcast_in_dim3A_49 : f32 to vector<4x64xf32>
    %slice3A_51 = vector.extract_strided_slice %max3A_41 {offsets = [0, 0], sizes = [3996, 64], strides = [1, 1]} : vector<4000x64xf32> to vector<3996x64xf32>
    %concatenate3A_52 = tpu.concatenate %broadcast_in_dim3A_50, %slice3A_51 in 0 : vector<4x64xf32>, vector<3996x64xf32> -> vector<4000x64xf32>
    %mul3A_53 = vector.broadcast %convert_element_type3A_48 : vector<4000x1xf32> to vector<4000x64xf32>
    %mul3A_54 = arith.mulf %concatenate3A_52, %mul3A_53 : vector<4000x64xf32>
    %max3A_55 = arith.maximumf %max3A_41, %mul3A_54 : vector<4000x64xf32>
    %broadcast_in_dim3A_56 = arith.constant -1.000000e+00 : f32
    %broadcast_in_dim3A_57 = vector.broadcast %broadcast_in_dim3A_56 : f32 to vector<8x1xf32>
    %slice3A_58 = vector.extract_strided_slice %get3A_3 {offsets = [0, 0], sizes = [3992, 1], strides = [1, 1]} : vector<4000x1xf32> to vector<3992x1xf32>
    %concatenate3A_59 = tpu.concatenate %broadcast_in_dim3A_57, %slice3A_58 in 0 : vector<8x1xf32>, vector<3992x1xf32> -> vector<4000x1xf32>
    %eq3A_60 = arith.cmpf oeq, %get3A_3, %concatenate3A_59 : vector<4000x1xf32>
    %convert_element_type3A_61 = arith.extui %eq3A_60 : vector<4000x1xi1> to vector<4000x1xi32>
    %convert_element_type3A_62 = arith.sitofp %convert_element_type3A_61 : vector<4000x1xi32> to vector<4000x1xf32>
    %broadcast_in_dim3A_63 = arith.constant 0.000000e+00 : f32
    %broadcast_in_dim3A_64 = vector.broadcast %broadcast_in_dim3A_63 : f32 to vector<8x64xf32>
    %slice3A_65 = vector.extract_strided_slice %max3A_55 {offsets = [0, 0], sizes = [3992, 64], strides = [1, 1]} : vector<4000x64xf32> to vector<3992x64xf32>
    %concatenate3A_66 = tpu.concatenate %broadcast_in_dim3A_64, %slice3A_65 in 0 : vector<8x64xf32>, vector<3992x64xf32> -> vector<4000x64xf32>
    %mul3A_67 = vector.broadcast %convert_element_type3A_62 : vector<4000x1xf32> to vector<4000x64xf32>
    %mul3A_68 = arith.mulf %concatenate3A_66, %mul3A_67 : vector<4000x64xf32>
    %max3A_69 = arith.maximumf %max3A_55, %mul3A_68 : vector<4000x64xf32>
    %broadcast_in_dim3A_70 = arith.constant -1.000000e+00 : f32
    %broadcast_in_dim3A_71 = vector.broadcast %broadcast_in_dim3A_70 : f32 to vector<16x1xf32>
    %slice3A_72 = vector.extract_strided_slice %get3A_3 {offsets = [0, 0], sizes = [3984, 1], strides = [1, 1]} : vector<4000x1xf32> to vector<3984x1xf32>
    %concatenate3A_73 = tpu.concatenate %broadcast_in_dim3A_71, %slice3A_72 in 0 : vector<16x1xf32>, vector<3984x1xf32> -> vector<4000x1xf32>
    %eq3A_74 = arith.cmpf oeq, %get3A_3, %concatenate3A_73 : vector<4000x1xf32>
    %convert_element_type3A_75 = arith.extui %eq3A_74 : vector<4000x1xi1> to vector<4000x1xi32>
    %convert_element_type3A_76 = arith.sitofp %convert_element_type3A_75 : vector<4000x1xi32> to vector<4000x1xf32>
    %broadcast_in_dim3A_77 = arith.constant 0.000000e+00 : f32
    %broadcast_in_dim3A_78 = vector.broadcast %broadcast_in_dim3A_77 : f32 to vector<16x64xf32>
    %slice3A_79 = vector.extract_strided_slice %max3A_69 {offsets = [0, 0], sizes = [3984, 64], strides = [1, 1]} : vector<4000x64xf32> to vector<3984x64xf32>
    %concatenate3A_80 = tpu.concatenate %broadcast_in_dim3A_78, %slice3A_79 in 0 : vector<16x64xf32>, vector<3984x64xf32> -> vector<4000x64xf32>
    %mul3A_81 = vector.broadcast %convert_element_type3A_76 : vector<4000x1xf32> to vector<4000x64xf32>
    %mul3A_82 = arith.mulf %concatenate3A_80, %mul3A_81 : vector<4000x64xf32>
    %max3A_83 = arith.maximumf %max3A_69, %mul3A_82 : vector<4000x64xf32>
    %broadcast_in_dim3A_84 = arith.constant -1.000000e+00 : f32
    %broadcast_in_dim3A_85 = vector.broadcast %broadcast_in_dim3A_84 : f32 to vector<32x1xf32>
    %slice3A_86 = vector.extract_strided_slice %get3A_3 {offsets = [0, 0], sizes = [3968, 1], strides = [1, 1]} : vector<4000x1xf32> to vector<3968x1xf32>
    %concatenate3A_87 = tpu.concatenate %broadcast_in_dim3A_85, %slice3A_86 in 0 : vector<32x1xf32>, vector<3968x1xf32> -> vector<4000x1xf32>
    %eq3A_88 = arith.cmpf oeq, %get3A_3, %concatenate3A_87 : vector<4000x1xf32>
    %convert_element_type3A_89 = arith.extui %eq3A_88 : vector<4000x1xi1> to vector<4000x1xi32>
    %convert_element_type3A_90 = arith.sitofp %convert_element_type3A_89 : vector<4000x1xi32> to vector<4000x1xf32>
    %broadcast_in_dim3A_91 = arith.constant 0.000000e+00 : f32
    %broadcast_in_dim3A_92 = vector.broadcast %broadcast_in_dim3A_91 : f32 to vector<32x64xf32>
    %slice3A_93 = vector.extract_strided_slice %max3A_83 {offsets = [0, 0], sizes = [3968, 64], strides = [1, 1]} : vector<4000x64xf32> to vector<3968x64xf32>
    %concatenate3A_94 = tpu.concatenate %broadcast_in_dim3A_92, %slice3A_93 in 0 : vector<32x64xf32>, vector<3968x64xf32> -> vector<4000x64xf32>
    %mul3A_95 = vector.broadcast %convert_element_type3A_90 : vector<4000x1xf32> to vector<4000x64xf32>
    %mul3A_96 = arith.mulf %concatenate3A_94, %mul3A_95 : vector<4000x64xf32>
    %max3A_97 = arith.maximumf %max3A_83, %mul3A_96 : vector<4000x64xf32>
    %broadcast_in_dim3A_98 = arith.constant -1.000000e+00 : f32
    %broadcast_in_dim3A_99 = vector.broadcast %broadcast_in_dim3A_98 : f32 to vector<64x1xf32>
    %slice3A_100 = vector.extract_strided_slice %get3A_3 {offsets = [0, 0], sizes = [3936, 1], strides = [1, 1]} : vector<4000x1xf32> to vector<3936x1xf32>
    %concatenate3A_101 = tpu.concatenate %broadcast_in_dim3A_99, %slice3A_100 in 0 : vector<64x1xf32>, vector<3936x1xf32> -> vector<4000x1xf32>
    %eq3A_102 = arith.cmpf oeq, %get3A_3, %concatenate3A_101 : vector<4000x1xf32>
    %convert_element_type3A_103 = arith.extui %eq3A_102 : vector<4000x1xi1> to vector<4000x1xi32>
    %convert_element_type3A_104 = arith.sitofp %convert_element_type3A_103 : vector<4000x1xi32> to vector<4000x1xf32>
    %broadcast_in_dim3A_105 = arith.constant 0.000000e+00 : f32
    %broadcast_in_dim3A_106 = vector.broadcast %broadcast_in_dim3A_105 : f32 to vector<64x64xf32>
    %slice3A_107 = vector.extract_strided_slice %max3A_97 {offsets = [0, 0], sizes = [3936, 64], strides = [1, 1]} : vector<4000x64xf32> to vector<3936x64xf32>
    %concatenate3A_108 = tpu.concatenate %broadcast_in_dim3A_106, %slice3A_107 in 0 : vector<64x64xf32>, vector<3936x64xf32> -> vector<4000x64xf32>
    %mul3A_109 = vector.broadcast %convert_element_type3A_104 : vector<4000x1xf32> to vector<4000x64xf32>
    %mul3A_110 = arith.mulf %concatenate3A_108, %mul3A_109 : vector<4000x64xf32>
    %max3A_111 = arith.maximumf %max3A_97, %mul3A_110 : vector<4000x64xf32>
    %broadcast_in_dim3A_112 = arith.constant -1.000000e+00 : f32
    %broadcast_in_dim3A_113 = vector.broadcast %broadcast_in_dim3A_112 : f32 to vector<128x1xf32>
    %slice3A_114 = vector.extract_strided_slice %get3A_3 {offsets = [0, 0], sizes = [3872, 1], strides = [1, 1]} : vector<4000x1xf32> to vector<3872x1xf32>
    %concatenate3A_115 = tpu.concatenate %broadcast_in_dim3A_113, %slice3A_114 in 0 : vector<128x1xf32>, vector<3872x1xf32> -> vector<4000x1xf32>
    %eq3A_116 = arith.cmpf oeq, %get3A_3, %concatenate3A_115 : vector<4000x1xf32>
    %convert_element_type3A_117 = arith.extui %eq3A_116 : vector<4000x1xi1> to vector<4000x1xi32>
    %convert_element_type3A_118 = arith.sitofp %convert_element_type3A_117 : vector<4000x1xi32> to vector<4000x1xf32>
    %broadcast_in_dim3A_119 = arith.constant 0.000000e+00 : f32
    %broadcast_in_dim3A_120 = vector.broadcast %broadcast_in_dim3A_119 : f32 to vector<128x64xf32>
    %slice3A_121 = vector.extract_strided_slice %max3A_111 {offsets = [0, 0], sizes = [3872, 64], strides = [1, 1]} : vector<4000x64xf32> to vector<3872x64xf32>
    %concatenate3A_122 = tpu.concatenate %broadcast_in_dim3A_120, %slice3A_121 in 0 : vector<128x64xf32>, vector<3872x64xf32> -> vector<4000x64xf32>
    %mul3A_123 = vector.broadcast %convert_element_type3A_118 : vector<4000x1xf32> to vector<4000x64xf32>
    %mul3A_124 = arith.mulf %concatenate3A_122, %mul3A_123 : vector<4000x64xf32>
    %max3A_125 = arith.maximumf %max3A_111, %mul3A_124 : vector<4000x64xf32>
    %broadcast_in_dim3A_126 = arith.constant -1.000000e+00 : f32
    %broadcast_in_dim3A_127 = vector.broadcast %broadcast_in_dim3A_126 : f32 to vector<256x1xf32>
    %slice3A_128 = vector.extract_strided_slice %get3A_3 {offsets = [0, 0], sizes = [3744, 1], strides = [1, 1]} : vector<4000x1xf32> to vector<3744x1xf32>
    %concatenate3A_129 = tpu.concatenate %broadcast_in_dim3A_127, %slice3A_128 in 0 : vector<256x1xf32>, vector<3744x1xf32> -> vector<4000x1xf32>
    %eq3A_130 = arith.cmpf oeq, %get3A_3, %concatenate3A_129 : vector<4000x1xf32>
    %convert_element_type3A_131 = arith.extui %eq3A_130 : vector<4000x1xi1> to vector<4000x1xi32>
    %convert_element_type3A_132 = arith.sitofp %convert_element_type3A_131 : vector<4000x1xi32> to vector<4000x1xf32>
    %broadcast_in_dim3A_133 = arith.constant 0.000000e+00 : f32
    %broadcast_in_dim3A_134 = vector.broadcast %broadcast_in_dim3A_133 : f32 to vector<256x64xf32>
    %slice3A_135 = vector.extract_strided_slice %max3A_125 {offsets = [0, 0], sizes = [3744, 64], strides = [1, 1]} : vector<4000x64xf32> to vector<3744x64xf32>
    %concatenate3A_136 = tpu.concatenate %broadcast_in_dim3A_134, %slice3A_135 in 0 : vector<256x64xf32>, vector<3744x64xf32> -> vector<4000x64xf32>
    %mul3A_137 = vector.broadcast %convert_element_type3A_132 : vector<4000x1xf32> to vector<4000x64xf32>
    %mul3A_138 = arith.mulf %concatenate3A_136, %mul3A_137 : vector<4000x64xf32>
    %max3A_139 = arith.maximumf %max3A_125, %mul3A_138 : vector<4000x64xf32>
    %broadcast_in_dim3A_140 = arith.constant -1.000000e+00 : f32
    %broadcast_in_dim3A_141 = vector.broadcast %broadcast_in_dim3A_140 : f32 to vector<512x1xf32>
    %slice3A_142 = vector.extract_strided_slice %get3A_3 {offsets = [0, 0], sizes = [3488, 1], strides = [1, 1]} : vector<4000x1xf32> to vector<3488x1xf32>
    %concatenate3A_143 = tpu.concatenate %broadcast_in_dim3A_141, %slice3A_142 in 0 : vector<512x1xf32>, vector<3488x1xf32> -> vector<4000x1xf32>
    %eq3A_144 = arith.cmpf oeq, %get3A_3, %concatenate3A_143 : vector<4000x1xf32>
    %convert_element_type3A_145 = arith.extui %eq3A_144 : vector<4000x1xi1> to vector<4000x1xi32>
    %convert_element_type3A_146 = arith.sitofp %convert_element_type3A_145 : vector<4000x1xi32> to vector<4000x1xf32>
    %broadcast_in_dim3A_147 = arith.constant 0.000000e+00 : f32
    %broadcast_in_dim3A_148 = vector.broadcast %broadcast_in_dim3A_147 : f32 to vector<512x64xf32>
    %slice3A_149 = vector.extract_strided_slice %max3A_139 {offsets = [0, 0], sizes = [3488, 64], strides = [1, 1]} : vector<4000x64xf32> to vector<3488x64xf32>
    %concatenate3A_150 = tpu.concatenate %broadcast_in_dim3A_148, %slice3A_149 in 0 : vector<512x64xf32>, vector<3488x64xf32> -> vector<4000x64xf32>
    %mul3A_151 = vector.broadcast %convert_element_type3A_146 : vector<4000x1xf32> to vector<4000x64xf32>
    %mul3A_152 = arith.mulf %concatenate3A_150, %mul3A_151 : vector<4000x64xf32>
    %max3A_153 = arith.maximumf %max3A_139, %mul3A_152 : vector<4000x64xf32>
    %broadcast_in_dim3A_154 = arith.constant -1.000000e+00 : f32
    %broadcast_in_dim3A_155 = vector.broadcast %broadcast_in_dim3A_154 : f32 to vector<1024x1xf32>
    %slice3A_156 = vector.extract_strided_slice %get3A_3 {offsets = [0, 0], sizes = [2976, 1], strides = [1, 1]} : vector<4000x1xf32> to vector<2976x1xf32>
    %concatenate3A_157 = tpu.concatenate %broadcast_in_dim3A_155, %slice3A_156 in 0 : vector<1024x1xf32>, vector<2976x1xf32> -> vector<4000x1xf32>
    %eq3A_158 = arith.cmpf oeq, %get3A_3, %concatenate3A_157 : vector<4000x1xf32>
    %convert_element_type3A_159 = arith.extui %eq3A_158 : vector<4000x1xi1> to vector<4000x1xi32>
    %convert_element_type3A_160 = arith.sitofp %convert_element_type3A_159 : vector<4000x1xi32> to vector<4000x1xf32>
    %broadcast_in_dim3A_161 = arith.constant 0.000000e+00 : f32
    %broadcast_in_dim3A_162 = vector.broadcast %broadcast_in_dim3A_161 : f32 to vector<1024x64xf32>
    %slice3A_163 = vector.extract_strided_slice %max3A_153 {offsets = [0, 0], sizes = [2976, 64], strides = [1, 1]} : vector<4000x64xf32> to vector<2976x64xf32>
    %concatenate3A_164 = tpu.concatenate %broadcast_in_dim3A_162, %slice3A_163 in 0 : vector<1024x64xf32>, vector<2976x64xf32> -> vector<4000x64xf32>
    %mul3A_165 = vector.broadcast %convert_element_type3A_160 : vector<4000x1xf32> to vector<4000x64xf32>
    %mul3A_166 = arith.mulf %concatenate3A_164, %mul3A_165 : vector<4000x64xf32>
    %max3A_167 = arith.maximumf %max3A_153, %mul3A_166 : vector<4000x64xf32>
    %broadcast_in_dim3A_168 = arith.constant -1.000000e+00 : f32
    %broadcast_in_dim3A_169 = vector.broadcast %broadcast_in_dim3A_168 : f32 to vector<2048x1xf32>
    %slice3A_170 = vector.extract_strided_slice %get3A_3 {offsets = [0, 0], sizes = [1952, 1], strides = [1, 1]} : vector<4000x1xf32> to vector<1952x1xf32>
    %concatenate3A_171 = tpu.concatenate %broadcast_in_dim3A_169, %slice3A_170 in 0 : vector<2048x1xf32>, vector<1952x1xf32> -> vector<4000x1xf32>
    %eq3A_172 = arith.cmpf oeq, %get3A_3, %concatenate3A_171 : vector<4000x1xf32>
    %convert_element_type3A_173 = arith.extui %eq3A_172 : vector<4000x1xi1> to vector<4000x1xi32>
    %convert_element_type3A_174 = arith.sitofp %convert_element_type3A_173 : vector<4000x1xi32> to vector<4000x1xf32>
    %broadcast_in_dim3A_175 = arith.constant 0.000000e+00 : f32
    %broadcast_in_dim3A_176 = vector.broadcast %broadcast_in_dim3A_175 : f32 to vector<2048x64xf32>
    %slice3A_177 = vector.extract_strided_slice %max3A_167 {offsets = [0, 0], sizes = [1952, 64], strides = [1, 1]} : vector<4000x64xf32> to vector<1952x64xf32>
    %concatenate3A_178 = tpu.concatenate %broadcast_in_dim3A_176, %slice3A_177 in 0 : vector<2048x64xf32>, vector<1952x64xf32> -> vector<4000x64xf32>
    %mul3A_179 = vector.broadcast %convert_element_type3A_174 : vector<4000x1xf32> to vector<4000x64xf32>
    %mul3A_180 = arith.mulf %concatenate3A_178, %mul3A_179 : vector<4000x64xf32>
    %max3A_181 = arith.maximumf %max3A_167, %mul3A_180 : vector<4000x64xf32>
    %get3A_182 = arith.constant 2 : index
    %get3A_183 = arith.constant 0 : index
    %get3A_184 = vector.load %arg6[%get3A_182, %get3A_183] : memref<8x128xf32, #tpu.memory_space<vmem>>, vector<1x1xf32>
    %eq3A_185 = vector.broadcast %get3A_184 : vector<1x1xf32> to vector<4000x1xf32>
    %eq3A_186 = arith.cmpf oeq, %get3A_3, %eq3A_185 : vector<4000x1xf32>
    %convert_element_type3A_187 = arith.extui %eq3A_186 : vector<4000x1xi1> to vector<4000x1xi32>
    %convert_element_type3A_188 = arith.sitofp %convert_element_type3A_187 : vector<4000x1xi32> to vector<4000x1xf32>
    %get3A_189 = arith.constant 0 : index
    %get3A_190 = arith.constant 0 : index
    %get3A_191 = vector.load %arg6[%get3A_189, %get3A_190] : memref<8x128xf32, #tpu.memory_space<vmem>>, vector<1x64xf32>
    %mul3A_192 = vector.broadcast %get3A_191 : vector<1x64xf32> to vector<4000x64xf32>
    %mul3A_193 = vector.broadcast %convert_element_type3A_188 : vector<4000x1xf32> to vector<4000x64xf32>
    %mul3A_194 = arith.mulf %mul3A_192, %mul3A_193 : vector<4000x64xf32>
    %max3A_195 = arith.maximumf %max3A_181, %mul3A_194 : vector<4000x64xf32>
    %swap3A = arith.constant 0 : index
    %swap3A_196 = arith.constant 0 : index
    %swap3A_197 = vector.load %arg5[%swap3A, %swap3A_196] : memref<4000x64xf32, #tpu.memory_space<vmem>>, vector<4000x64xf32>
    tpu.vector_store %arg5[%swap3A, %swap3A_196], %max3A_195 {strides = array<i32>} : memref<4000x64xf32, #tpu.memory_space<vmem>>, vector<4000x64xf32>,
    %slice3A_198 = vector.extract_strided_slice %max3A_195 {offsets = [3999, 0], sizes = [1, 64], strides = [1, 1]} : vector<4000x64xf32> to vector<1x64xf32>
    %swap3A_199 = arith.constant 0 : index
    %swap3A_200 = arith.constant 0 : index
    %swap3A_201 = vector.load %arg6[%swap3A_199, %swap3A_200] : memref<8x128xf32, #tpu.memory_space<vmem>>, vector<1x64xf32>
    tpu.vector_store %arg6[%swap3A_199, %swap3A_200], %slice3A_198 {strides = array<i32>} : memref<8x128xf32, #tpu.memory_space<vmem>>, vector<1x64xf32>,
    %slice3A_202 = vector.extract_strided_slice %get3A_3 {offsets = [3999, 0], sizes = [1, 1], strides = [1, 1]} : vector<4000x1xf32> to vector<1x1xf32>
    %swap3A_203 = arith.constant 2 : index
    %swap3A_204 = arith.constant 0 : index
    %swap3A_205 = vector.load %arg6[%swap3A_203, %swap3A_204] : memref<8x128xf32, #tpu.memory_space<vmem>>, vector<1x1xf32>
    tpu.vector_store %arg6[%swap3A_203, %swap3A_204], %slice3A_202 {strides = array<i32>} : memref<8x128xf32, #tpu.memory_space<vmem>>, vector<1x1xf32>,
    return
  }
  func.func @transform_0(%arg0: i32) -> (i32, i32) {
    %c0_i32 = arith.constant 0 : i32
    %c0_i32_0 = arith.constant 0 : i32
    return %arg0, %c0_i32 : i32, i32
  }
  func.func @transform_1(%arg0: i32) -> (i32, i32) {
    %c0_i32 = arith.constant 0 : i32
    %c0_i32_0 = arith.constant 0 : i32
    return %arg0, %c0_i32 : i32, i32
  }
  func.func @transform_2(%arg0: i32) -> (i32, i32) {
    %c0_i32 = arith.constant 0 : i32
    %c0_i32_0 = arith.constant 0 : i32
    %c0_i32_1 = arith.constant 0 : i32
    return %c0_i32, %c0_i32_0 : i32, i32
  }
  func.func @transform_3(%arg0: i32) -> (i32, i32) {
    %c0_i32 = arith.constant 0 : i32
    %c0_i32_0 = arith.constant 0 : i32
    %c0_i32_1 = arith.constant 0 : i32
    return %c0_i32, %c0_i32_0 : i32, i32
  }
  func.func @transform_4(%arg0: i32) -> (i32, i32) {
    %c0_i32 = arith.constant 0 : i32
    %c0_i32_0 = arith.constant 0 : i32
    return %arg0, %c0_i32 : i32, i32
  }
}

</mosaic_0001>

<sc_bundles>
// kernel: gather_offload_async_start.1
scs
__scs_entry_jumppad:
0x0: {  	(pc) =	sbr.rel $0x88, $3  }
0x1: {  	(tag) =	ssettag $0x0;
	lr =	simm.s32 $0x1  }
0x2: {  	[smem:$0x3F96] =	sst lr;
	_ =	strace $0xD0000000  }
0x3: {  	_ = 	snop  }
0x4: {  	_ = 	snop  }
0x5: {  	_ = 	snop  }
0x6: {  	_ = 	snop  }
0x7: {  	_ = 	snop  }
__scs_overlays_trampoline_lowered:
0x8: {  	[smem:$0x3FA5] =	sst s0  }
0x9: {  	[smem:$0x3FA6] =	sst s1  }
0xa: {  	[smem:$0x3FA7] =	sst s2  }
0xb: {  	[smem:$0x3FA8] =	sst s3  }
0xc: {  	[smem:$0x3FA9] =	sst s4  }
0xd: {  	[smem:$0x3FAA] =	sst s5  }
0xe: {  	[smem:$0x3FAB] =	sst s6  }
0xf: {  	[smem:$0x3FAC] =	sst s7  }
0x10: {  	[smem:$0x3FAD] =	sst s8  }
0x11: {  	[smem:$0x3FAE] =	sst s9;
	s0 =	simm.s32 @!p0 $0x0  }
0x12: {  	s1 =	sld [smem:$0x3F94];
	s0 =	simm.s32 @p0 $0x1  }
0x13: {  	[smem:$0x3FAF] =	sst s0;
	s0 =	simm.s32 @!p1 $0x0  }
0x14: {  	s2 =	sld [smem:$0x3F93];
	s0 =	simm.s32 @p1 $0x1  }
0x15: {  	[smem:$0x3FB0] =	sst s0;
	s0 =	simm.s32 @!p2 $0x0  }
0x16: {  	s3 =	sld [smem:$0x3FDB];
	s0 =	simm.s32 @p2 $0x1  }
0x17: {  	s4 =	simm.s32 $0x1BF5;
	[smem:$0x3FB2] =	sst s0  }
0x18: {  	s0 =	sld [smem:$0x3F95];
	_ =	swait.ge [sflag:s4], $0x0  }
0x19: {  	s7 =	sld [smem:$0x3F96]  }
0x1a: {  	s8 =	sadd.s32 $0xFFFFE003, lr  }
0x1b: {  	s9 =	sadd.s32 $0xFFFFFEF7, lr;
	s5 =	simm.s32 $0xFFFFFFFF;
	p2 =	slt.u32 s8, $0xFFFFF086  }
0x1c: {  	p1 =	slt.u32 s9, $0xF7A;
	s5 =	simm.s32 @!p2 $0x0  }
0x1d: {  	s5 =	simm.s32 @p1 $0x1;
	p0 =	seq.s32 s7, s2  }
0x1e: {  	s7 =	smul.u32 @!p0 $0xF7A, s2;
	p2 =	seq.s32 @!p0 s5, $0x0  }
0x1f: {  	s9 =	smul.u32 $0xF7A, s1;
	s8 =	simm.s32 @!p0 $0x1BF5;
	p2 =	por !p2, p0  }
0x20: {  	[sflag:s8] =	ssyncset.s32 @!p0 $0xFFFFF086;
	s6 =	sadd.s32 @!p0 s3, s7;
	s7 =	simm.s32 @!p0 $0x108  }
0x21: {  	s3 =	sadd.s32 s3, s9;
	s6 =	sadd.s32 @!p0 $0x88, s6;
	s7 =	simm.s32 @p2 $0x1082  }
0x22: {  	[simem:s7], [sflag:s8] =	dma.local @!p0 [hbm:s6], $0xF7A  }
0x23: {  	s9 =	sor.u32 $0xD0000000, s2;
	s6 =	simm.s32 $0x108;
	_ =	swait.ge @!p0 [sflag:s8], $0x0  }
0x24: {  	s3 =	sadd.s32 $0x88, s3;
	s6 =	simm.s32 @!p1 $0x1082;
	[sflag:s4] =	ssyncset.s32 $0xFFFFF086  }
0x25: {  	[simem:s6], [sflag:s4] =	dma.local [hbm:s3], $0xF7A  }
0x26: {  	[smem:$0x3F96] =	sst s1;
	(tag) =	ssettag s2;
	_ =	strace s9  }
0x27: {  	s1 =	sld [smem:$0x3FA6]  }
0x28: {  	s2 =	sld [smem:$0x3FA7]  }
0x29: {  	s4 =	sld [smem:$0x3FA9]  }
0x2a: {  	p0 =	seq.s32 s5, $0x0;
	s5 =	sld [smem:$0x3FAA]  }
0x2b: {  	s6 =	sld [smem:$0x3FAB]  }
0x2c: {  	s7 =	sld [smem:$0x3FAC]  }
0x2d: {  	s3 =	simm.s32 $0x108;
	s8 =	sld [smem:$0x3FAD]  }
0x2e: {  	s3 =	simm.s32 @!p0 $0x1082;
	s9 =	sld [smem:$0x3FAE]  }
0x2f: {  	lr =	sadd.s32 s0, s3;
	s0 =	sld [smem:$0x3FA5]  }
0x30: {  	s3 =	sld [smem:$0x3FA8]  }
0x31: {  	[smem:$0x3FB1] =	sst s10  }
0x32: {  	s10 =	sld [smem:$0x3FAF];
	_ =	sdelay $0x3  }
0x33: {  	p0 =	seq.s32 s10, $0x1;
	s10 =	sld [smem:$0x3FB1];
	_ =	sdelay $0x3  }
0x34: {  	[smem:$0x3FB1] =	sst s10  }
0x35: {  	s10 =	sld [smem:$0x3FB0];
	_ =	sdelay $0x3  }
0x36: {  	p1 =	seq.s32 s10, $0x1;
	s10 =	sld [smem:$0x3FB1];
	_ =	sdelay $0x3  }
0x37: {  	[smem:$0x3FB1] =	sst s10  }
0x38: {  	s10 =	sld [smem:$0x3FB2]  }
0x39: {  	_ = 	snop;
	(pc) =	sbr.ind lr, $3  }
0x3a: {  	_ = 	snop  }
0x3b: {  	_ = 	snop  }
0x3c: {  	p2 =	seq.s32 s10, $0x1;
	s10 =	sld [smem:$0x3FB1]  }
0x3d: {  	_ =	shalt  }
0x3e: {  	_ =	shalt  }
0x3f: {  	_ =	shalt  }
0x40: {  	_ =	shalt  }
0x41: {  	_ =	shalt  }
0x42: {  	_ =	shalt  }
0x43: {  	_ =	shalt  }
0x44: {  	_ =	shalt  }
0x45: {  	_ =	shalt  }
0x46: {  	_ =	shalt  }
0x47: {  	_ =	shalt  }
0x48: {  	_ =	shalt  }
0x49: {  	_ =	shalt  }
0x4a: {  	_ =	shalt  }
0x4b: {  	_ =	shalt  }
0x4c: {  	_ =	shalt  }
0x4d: {  	_ =	shalt  }
0x4e: {  	_ =	shalt  }
0x4f: {  	_ =	shalt  }
0x50: {  	_ =	shalt  }
0x51: {  	_ =	shalt  }
0x52: {  	_ =	shalt  }
0x53: {  	_ =	shalt  }
0x54: {  	_ =	shalt  }
0x55: {  	_ =	shalt  }
0x56: {  	_ =	shalt  }
0x57: {  	_ =	shalt  }
0x58: {  	_ =	shalt  }
0x59: {  	_ =	shalt  }
0x5a: {  	_ =	shalt  }
0x5b: {  	_ =	shalt  }
0x5c: {  	_ =	shalt  }
0x5d: {  	_ =	shalt  }
0x5e: {  	_ =	shalt  }
0x5f: {  	_ =	shalt  }
0x60: {  	_ =	shalt  }
0x61: {  	_ =	shalt  }
0x62: {  	_ =	shalt  }
0x63: {  	_ =	shalt  }
0x64: {  	_ =	shalt  }
0x65: {  	_ =	shalt  }
0x66: {  	_ =	shalt  }
0x67: {  	_ =	shalt  }
0x68: {  	_ =	shalt  }
0x69: {  	_ =	shalt  }
0x6a: {  	_ =	shalt  }
0x6b: {  	_ =	shalt  }
0x6c: {  	_ =	shalt  }
0x6d: {  	_ =	shalt  }
0x6e: {  	_ =	shalt  }
0x6f: {  	_ =	shalt  }
0x70: {  	_ =	shalt  }
0x71: {  	_ =	shalt  }
0x72: {  	_ =	shalt  }
0x73: {  	_ =	shalt  }
0x74: {  	_ =	shalt  }
0x75: {  	_ =	shalt  }
0x76: {  	_ =	shalt  }
0x77: {  	_ =	shalt  }
0x78: {  	_ =	shalt  }
0x79: {  	_ =	shalt  }
0x7a: {  	_ =	shalt  }
0x7b: {  	_ =	shalt  }
0x7c: {  	_ =	shalt  }
0x7d: {  	_ =	shalt  }
0x7e: {  	_ =	shalt  }
0x7f: {  	_ =	shalt  }
0x80: {  	_ =	shalt  }
0x81: {  	_ =	shalt  }
0x82: {  	_ =	shalt  }
0x83: {  	_ =	shalt  }
0x84: {  	_ =	shalt  }
0x85: {  	_ =	shalt  }
0x86: {  	_ =	shalt  }
0x87: {  	_ =	shalt  }
.Lfunc_end0:
.L_simem_size_0:
called_computation.1_lowered:
.L_overlay_start_0:
0x88: {  	s2 =	sld [smem:$0x3FD9]  }
0x89: {  	s3 =	sld [smem:$0x3FFE];
	_ =	sdelay $0x1  }
0x8a: {  	s1 =	srdreg.scid  }
0x8b: {  	s0 =	sand.u32 $0x1, s1  }
0x8c: {  	s17 =	sshll.u32 s0, $0xA;
	s2 =	sadd.s32 s3, s2  }
0x8d: {  	s2 =	sadd.s32 s2, s17  }
0x8e: {  	[smem:$0x3FBD] =	sst s2  }
0x8f: {  	_ = 	snop  }
0x90: {  	s2 =	sld [smem:$0x3FC5]  }
0x91: {  	s18 =	sld [smem:$0x3FD0];
	(tm) =	ssettm $0x1  }
0x92: {  	s4 =	sld [smem:$0x3FFB];
	_ =	sdelay $0x3  }
0x93: {  	_ =	strace s4  }
0x94: {  	s4 =	sld [smem:$0x3FFC];
	_ =	sdelay $0x3  }
0x95: {  	_ =	strace s4  }
0x96: {  	s4 =	sld [smem:$0x3FFD];
	_ =	sdelay $0x3  }
0x97: {  	_ =	strace s4  }
0x98: {  	_ =	strace $0x8FFFFFFF  }
0x99: {  	s19 =	sld [smem:$0x3FDB];
	_ =	sdelay $0x1  }
0x9a: {  	s5 =	simm.s32 $_scs_section_size  }
0x9b: {  	s6 =	simm.s32 $_size__tile_overlayer_lowered;
	s7 =	simm.s32 $_tile_overlayer_lowered  }
0x9c: {  	s22 =	simm.s32 $0x1BFF;
	s21 =	sshll.u32 s7, $0x1;
	s4 =	sadd.s32 s5, s19  }
0x9d: {  	s8 =	simm.s32 $0x0;
	s20 =	sshll.u32 s6, $0x1;
	s6 =	sadd.s32 s21, s4  }
0x9e: {  	[timem:s8], [sflag:s22] =	dma.local [hbm:s6], s20  }
0x9f: {  	_ =	swait.ge [sflag:s22], s20  }
0xa0: {  	s5 =	ssub.s32 $0x0, s20;
	[sflag:s22] =	ssyncset.done $0x0  }
0xa1: {  	[sflag:s22] =	ssyncadd.s32 s5;
	_ =	sdelay $0x1  }
0xa2: {  	s23 =	simm.s32 $0x1B8B  }
0xa3: {  	_ =	swait.ge [sflag:s23], $0x1  }
0xa4: {  	[sflag:s23] =	ssyncset.done $0x0  }
0xa5: {  	s25 =	simm.s32 $0x1B8E;
	s24 =	sld [smem:$0x3FFE];
	[sflag:s23] =	ssyncadd.s32 $0xFFFFFFFF  }
0xa6: {  	s26 =	simm.s32 $execute0_lowered;
	[smem:$0x3FD2] =	sst s25  }
0xa7: {  	s6 =	sshll.u32 s26, $0x1;
	_ =	strace $0x80000046;
	[dreg:$0x1] =	wrdreg $0xFFFFFFFF  }
0xa8: {  	s28 =	simm.s32 $_size_execute0_lowered;
	s4 =	sadd.s32 s4, s6;
	[dreg:$0x0] =	wrdreg $0x0  }
0xa9: {  	s6 =	sshll.u32 s28, $0x1;
	[dreg:$0x2] =	wrdreg s4  }
0xaa: {  	[dreg:$0x3] =	wrdreg s6  }
0xab: {  	[dreg:$0x4] =	wrdreg $0xC0  }
0xac: {  	_ =	task [dreg:s8], $0x5FFFF  }
0xad: {  	[dreg:$0x1] =	wrdreg $0xFFFFFFFF  }
0xae: {  	[dreg:$0x0] =	wrdreg $0x60  }
0xaf: {  	[dreg:$0x2] =	wrdreg s2  }
0xb0: {  	[dreg:$0x3] =	wrdreg s18  }
0xb1: {  	[dreg:$0x4] =	wrdreg s24  }
0xb2: {  	[dreg:$0x5] =	wrdreg $0x9  }
0xb3: {  	_ =	task.clear_ibuf [dreg:s8], $0x6FFFF;
	_ =	strace $0x90000046  }
0xb4: {  	s29 =	simm.s32 $0x9;
	_ =	strace $0x80000048  }
0xb5: {  	_ =	swait.ge [sflag:s29], $0x1  }
0xb6: {  	[sflag:s29] =	ssyncadd.s32 $0xFFFFFFFF  }
0xb7: {  	_ =	strace $0x90000048  }
0xb8: {  	_ =	sfence  }
0xb9: {  	s30 =	sld [smem:$0x0];
	_ =	sdelay $0x2  }
0xba: {  	s31 =	sshll.u32 s1, $0xD;
	s1 =	sshrl.u32 s1, $0x2  }
0xbb: {  	s3 =	sand.u32 $0x4000, s31;
	s1 =	sadd.s32 s1, s30  }
0xbc: {  	s0 =	sor.u32 s3, s0;
	s1 =	sshll.u32 s1, $0x11  }
0xbd: {  	s0 =	sor.u32 s1, s0  }
0xbe: {  	s0 =	sadd.s32 $0x8F2B, s0  }
0xbf: {  	[sflag:s0] =	ssyncadd.remote.s32 $0x1  }
0xc0: {  	_ =	sfence.sel $0xFFFF  }
0xc1: {  	[dreg:$0x0] =	wrdreg $0xFFFFFFFF;
	(pc) =	sbr.abs _section_cstart, $3  }
0xc2: {  	[dreg:$0x1] =	wrdreg $0xFFFFFFFF  }
0xc3: {  	_ =	task.clear_ibuf [dreg:s8], $0x2FFFF;
	_ =	strace $0x9FFFFFFF  }
0xc4: {  	(tm) =	ssettm $0x7FFFFFFF  }
0xc5: {  	_ =	shalt  }
tec
execute0_lowered:
.L_overlay_start_1:
0x0: {  	(tag) =	ssettag $0x1  }
0x1: {  	s2 =	rddreg [dreg:$0x0]  }
0x2: {  	s3 =	rddreg [dreg:$0x1]  }
0x3: {  	s8 =	rddreg [dreg:$0x2];
	s1 =	stileid.u32  }
0x4: {  	s4 =	srdreg.scid;
	s0 =	rddreg [dreg:$0x3];
	_ =	strace $0x80000047  }
0x5: {  	s7 =	simm.s32 $0x1;
	s9 =	simm.s32 $0x1;
	s10 =	simm.s32 $0x3  }
0x6: {  	s13 =	simm.s32 $0x0;
	s5 =	sand.u32 $0x1, s4;
	s6 =	sshll.u32 s1, $0x1  }
0x7: {  	s12 =	simm.s32 $0x0;
	s4 =	simm.s32 $0x1;
	s5 =	sor.u32 s6, s5  }
.Ltmp0:
0x8: {  	[sflag:s4] =	ssyncpa.u1 $0x0;
	p0 =	slt.u32 s5, $0x13;
	(pc) =	sbr.rel .LBB2_1-.Ltmp0, $4  }
0x9: {  	s6 =	simm.s32 $0x2;
	s7 =	simm.s32 @!p0 $0x0;
	p0 =	sne.s32 s5, $0x12  }
0xa: {  	[sflag:s6] =	ssyncpa.u1 $0x0;
	s5 =	smul.u32 $0x320, s5;
	s9 =	simm.s32 @!p0 $0x0  }
0xb: {  	s8 =	sadd.s32 $0x61F200, s8;
	[sflag:s10] =	ssyncpa.u1 $0x0;
	s7 =	sadd.s32 s9, s7  }
0xc: {  	vm0 =	vmmov $0xffff;
	s10 =	simm.s32 $0x0;
	s11 =	smov.u32 s5;
	s9 =	sadd.s32 $0x1, s7  }
.LBB2_4:
0xd: {  	v2 =	vnsel vm1, $0x0, v2  }
0xe: {  	vm1 =	vgt.s32 v0, $0x0;
	v2 =	vmin.u32 v2, $0x61A7F  }
0xf: {  	v0 =	vnsel vm1, $0x0, v0  }
0x10: {  	v0 =	vmin.u32 v0, $0x61A7F  }
0x11: {  	[tilespmem:s18], [sflag:$0x1] =	stream.indirect_vreg.gather [hbm4b:s2+s10], $0x1, v1, vm0, $0x4038;
	[tilespmem:$0xC80] =	vst v63  }
0x12: {  	(ifvalue) =	ssetifvalue $0x7FFFFFFF  }
0x13: {  	[tilespmem:s15], [sflag:$0x1] =	stream.indirect_vreg.gather [hbm4b:s2+s10], $0x1, v2, vm0, $0x4038;
	[tilespmem:$0xC80] =	vst v63  }
0x14: {  	s29 =	sadd.s32 $0x10, s15;
	(ifvalue) =	ssetifvalue $0x7FFFFFFF  }
0x15: {  	[tilespmem:s29], [sflag:$0x1] =	stream.indirect_vreg.gather [hbm4b:s2+s10], $0x1, v0, vm0, $0x4038;
	[tilespmem:$0xC80] =	vst v63  }
0x16: {  	_ =	swait.ge [sflag:s4], $0x320  }
0x17: {  	s30 =	sshrl.u32 s13, $0x3;
	[sflag:s4] =	ssyncset.done $0x0  }
0x18: {  	s31 =	sand.u32 $0x7, s13;
	s15 =	sadd.s32 s8, s30;
	[sflag:s4] =	ssyncadd.s32 $0xFFFFFCE0  }
0x19: {  	[hbm4b:s15+s31] =	stream.linear.scatter [tilespmem:s14], [sflag:$0x3], $0x320, $0x38;
	[tilespmem:$0xC80] =	vst v63  }
.LBB2_5:
0x1a: {  	s15 =	sadd.s32 $0x6400, s11  }
0x1b: {  	p1 =	sgt.s32 s15, $0x9C3F  }
0x1c: {  	s15 =	smov.u32 @p1 s5;
	p1 =	sne.s32 s12, s9  }
.Ltmp1:
0x1d: {  	p0 =	slt.u32 s12, $0x2;
	(pc) =	sbr.rel @!p1 .LBB2_6-.Ltmp1, $4  }
0x1e: {  	s14 =	simm.s32 @!p0 $0x3  }
0x1f: {  	_ =	swait.ge @!p0 [sflag:s14], $0x320  }
0x20: {  	s16 =	sadd.s32 $0x1, s12;
	s13 =	smov.u32 s11;
	[sflag:s14] =	ssyncset.done @!p0 $0x0  }
0x21: {  	s12 =	smov.u32 s16;
	s11 =	smov.u32 s15;
	[sflag:s14] =	ssyncadd.s32 @!p0 $0xFFFFFCE0  }
.LBB2_1:
0x22: {  	p0 =	sge.u32 s12, s7  }
0x23: {  	s14 =	sxor.u32 @!p0 $0x1, s12  }
0x24: {  	s14 =	smul.u32 @!p0 $0xC80, s14  }
0x25: {  	s31 =	sadd.s32 $0xFFFFFFFF, s12;
	s15 =	sshrl.u32 @!p0 s11, $0x3  }
0x26: {  	s16 =	sand.u32 @!p0 $0x7, s11;
	s15 =	sadd.s32 @!p0 s3, s15;
	s14 =	sshra.s32 @!p0 s14, $0x2  }
0x27: {  	[tilespmem:s14], [sflag:$0x2] =	stream.linear.gather @!p0 [hbm4b:s15+s16], $0x320, $0x38;
	[tilespmem:$0xC80] =	vst v63  }
0x28: {  	p0 =	sge.u32 s31, s7  }
.Ltmp2:
0x29: {  	_ = 	snop;
	(pc) =	sbr.rel @p0 .LBB2_5-.Ltmp2, $1  }
0x2a: {  	_ =	sdelay $0x3  }
0x2b: {  	s14 =	sand.u32 $0x1, s12  }
0x2c: {  	_ =	swait.ge [sflag:s6], $0x320;
	p0 =	seq.s32 s14, $0x1;
	s14 =	simm.s32 $0x320  }
0x2d: {  	[sflag:s6] =	ssyncset.done $0x0;
	s14 =	simm.s32 @!p0 $0x0  }
0x2e: {  	[sflag:s6] =	ssyncadd.s32 $0xFFFFFCE0;
	(ifvalue) =	ssetifvalue $0x7FFFFFFF;
	v0 =	vld.msk [tilespmem:s14+$0x0 ss:$0x1], $0xffff;
	_ =	sdelay $0x4  }
0x2f: {  	s15 =	sadd.s32 $0x10, s14;
	vm1 =	vgt.s32 v0, $0x0  }
0x30: {  	v2 =	vld.msk [tilespmem:s15+$0x0 ss:$0x1], $0xffff;
	v1 =	vnsel vm1, $0x0, v0  }
0x31: {  	v1 =	vmin.u32 v1, $0x61A7F;
	_ =	sdelay $0x2  }
0x32: {  	s17 =	simm.s32 $0x20;
	s14 =	sadd.s32 $0x640, s14;
	s16 =	sadd.s32 $0x10, s15  }
0x33: {  	s15 =	sadd.s32 $0x10, s14;
	s18 =	smov.u32 s14;
	v0 =	vld.msk [tilespmem:s16+$0x0 ss:$0x1], $0xffff;
	vm1 =	vgt.s32 v2, $0x0;
	(ifvalue) =	ssetifvalue $0x7FFFFFFF  }
.LBB2_3:
0x34: {  	[tilespmem:s18], [sflag:$0x1] =	stream.indirect_vreg.gather [hbm4b:s2+s10], $0x1, v1, vm0, $0x4038;
	[tilespmem:$0xC80] =	vst v63  }
0x35: {  	s17 =	sadd.s32 $0x10, s17  }
0x36: {  	v2 =	vnsel vm1, $0x0, v2;
	p0 =	slt.u32 s17, $0x310  }
.Ltmp3:
0x37: {  	s18 =	smov.u32 s15;
	v1 =	vmin.u32 v2, $0x61A7F;
	(pc) =	sbr.rel @p0 .LBB2_3-.Ltmp3, $3  }
0x38: {  	_ =	sdelay $0x1  }
0x39: {  	s16 =	sadd.s32 $0x10, s16  }
0x3a: {  	vm1 =	vgt.s32 v0, $0x0;
	s15 =	sadd.s32 $0x10, s15;
	v2 =	vmov v0;
	(ifvalue) =	ssetifvalue $0x7FFFFFFF;
	v0 =	vld.msk [tilespmem:s16+$0x0 ss:$0x1], $0xffff  }
.Ltmp4:
0x3b: {  	_ = 	snop;
	(pc) =	sbr.rel .LBB2_4-.Ltmp4, $1  }
0x3c: {  	_ =	sdelay $0x3  }
.LBB2_6:
0x3d: {  	_ =	sfence.sel $0x180000  }
0x3e: {  	s2 =	simm.s32 $0x2;
	[bflag:$0x0] =	sbarrier.arrive $0xFFFF  }
0x3f: {  	s30 =	simm.s32 $0x3;
	[sflag:s2] =	ssyncpa.u1 $0x1  }
0x40: {  	s31 =	simm.s32 $0x1;
	[sflag:s30] =	ssyncpa.u1 $0x1  }
0x41: {  	[sflag:s31] =	ssyncpa.u1 $0x1  }
0x42: {  	p0 =	sne.s32 s1, $0x0;
	_ =	strace $0x90000047  }
0x43: {  	s0 =	sadd.s32 @!p0 $0x100000, s0;
	[bflag:$0x2] =	sbarrier.arrive $0xFFFF  }
0x44: {  	[sflag:s0] =	ssyncadd.tile.s32 @!p0 $0x1;
	_ =	shalt  }
.Lfunc_end2:
_tile_overlayer_lowered:
.L_overlay_start_2:
0x45: {  	(tag) =	ssettag $0x2  }
0x46: {  	s0 =	rddreg [dreg:$0x0];
	s2 =	stileid.u32  }
0x47: {  	s1 =	rddreg [dreg:$0x1];
	p0 =	sne.s32 s2, $0x0  }
0x48: {  	s3 =	rddreg [dreg:$0x2];
	[bflag:$0x3] =	sbarrier.arrive $0xFFFF;
	s2 =	simm.s32 @!p0 $0x1C01  }
0x49: {  	[timem:s3], [sflag:s2] =	dma.local @!p0 [hbm:s0], s1  }
0x4a: {  	s0 =	simm.s32 @!p0 $0x1  }
0x4b: {  	_ =	swait.ge @!p0 [sflag:s0], s1  }
0x4c: {  	s1 =	ssub.s32 @!p0 $0x0, s1;
	[sflag:s0] =	ssyncset.done @!p0 $0x0  }
0x4d: {  	[sflag:s0] =	ssyncadd.s32 @!p0 s1  }
0x4e: {  	[bflag:$0x3] =	sbarrier.arrive $0xFFFF  }
0x4f: {  	_ =	shalt  }

// kernel: gather_offload_async_start.2
scs
__scs_entry_jumppad:
0x0: {  	(pc) =	sbr.rel $0x88, $3  }
0x1: {  	(tag) =	ssettag $0x0;
	lr =	simm.s32 $0x1  }
0x2: {  	[smem:$0x3F96] =	sst lr;
	_ =	strace $0xD0000000  }
0x3: {  	_ = 	snop  }
0x4: {  	_ = 	snop  }
0x5: {  	_ = 	snop  }
0x6: {  	_ = 	snop  }
0x7: {  	_ = 	snop  }
__scs_overlays_trampoline_lowered:
0x8: {  	[smem:$0x3FA5] =	sst s0  }
0x9: {  	[smem:$0x3FA6] =	sst s1  }
0xa: {  	[smem:$0x3FA7] =	sst s2  }
0xb: {  	[smem:$0x3FA8] =	sst s3  }
0xc: {  	[smem:$0x3FA9] =	sst s4  }
0xd: {  	[smem:$0x3FAA] =	sst s5  }
0xe: {  	[smem:$0x3FAB] =	sst s6  }
0xf: {  	[smem:$0x3FAC] =	sst s7  }
0x10: {  	[smem:$0x3FAD] =	sst s8  }
0x11: {  	[smem:$0x3FAE] =	sst s9;
	s0 =	simm.s32 @!p0 $0x0  }
0x12: {  	s1 =	sld [smem:$0x3F94];
	s0 =	simm.s32 @p0 $0x1  }
0x13: {  	[smem:$0x3FAF] =	sst s0;
	s0 =	simm.s32 @!p1 $0x0  }
0x14: {  	s2 =	sld [smem:$0x3F93];
	s0 =	simm.s32 @p1 $0x1  }
0x15: {  	[smem:$0x3FB0] =	sst s0;
	s0 =	simm.s32 @!p2 $0x0  }
0x16: {  	s3 =	sld [smem:$0x3FDB];
	s0 =	simm.s32 @p2 $0x1  }
0x17: {  	s4 =	simm.s32 $0x1BF5;
	[smem:$0x3FB2] =	sst s0  }
0x18: {  	s0 =	sld [smem:$0x3F95];
	_ =	swait.ge [sflag:s4], $0x0  }
0x19: {  	s7 =	sld [smem:$0x3F96]  }
0x1a: {  	s8 =	sadd.s32 $0xFFFFE003, lr  }
0x1b: {  	s9 =	sadd.s32 $0xFFFFFEF7, lr;
	s5 =	simm.s32 $0xFFFFFFFF;
	p2 =	slt.u32 s8, $0xFFFFF086  }
0x1c: {  	p1 =	slt.u32 s9, $0xF7A;
	s5 =	simm.s32 @!p2 $0x0  }
0x1d: {  	s5 =	simm.s32 @p1 $0x1;
	p0 =	seq.s32 s7, s2  }
0x1e: {  	s7 =	smul.u32 @!p0 $0xF7A, s2;
	p2 =	seq.s32 @!p0 s5, $0x0  }
0x1f: {  	s9 =	smul.u32 $0xF7A, s1;
	s8 =	simm.s32 @!p0 $0x1BF5;
	p2 =	por !p2, p0  }
0x20: {  	[sflag:s8] =	ssyncset.s32 @!p0 $0xFFFFF086;
	s6 =	sadd.s32 @!p0 s3, s7;
	s7 =	simm.s32 @!p0 $0x108  }
0x21: {  	s3 =	sadd.s32 s3, s9;
	s6 =	sadd.s32 @!p0 $0x88, s6;
	s7 =	simm.s32 @p2 $0x1082  }
0x22: {  	[simem:s7], [sflag:s8] =	dma.local @!p0 [hbm:s6], $0xF7A  }
0x23: {  	s9 =	sor.u32 $0xD0000000, s2;
	s6 =	simm.s32 $0x108;
	_ =	swait.ge @!p0 [sflag:s8], $0x0  }
0x24: {  	s3 =	sadd.s32 $0x88, s3;
	s6 =	simm.s32 @!p1 $0x1082;
	[sflag:s4] =	ssyncset.s32 $0xFFFFF086  }
0x25: {  	[simem:s6], [sflag:s4] =	dma.local [hbm:s3], $0xF7A  }
0x26: {  	[smem:$0x3F96] =	sst s1;
	(tag) =	ssettag s2;
	_ =	strace s9  }
0x27: {  	s1 =	sld [smem:$0x3FA6]  }
0x28: {  	s2 =	sld [smem:$0x3FA7]  }
0x29: {  	s4 =	sld [smem:$0x3FA9]  }
0x2a: {  	p0 =	seq.s32 s5, $0x0;
	s5 =	sld [smem:$0x3FAA]  }
0x2b: {  	s6 =	sld [smem:$0x3FAB]  }
0x2c: {  	s7 =	sld [smem:$0x3FAC]  }
0x2d: {  	s3 =	simm.s32 $0x108;
	s8 =	sld [smem:$0x3FAD]  }
0x2e: {  	s3 =	simm.s32 @!p0 $0x1082;
	s9 =	sld [smem:$0x3FAE]  }
0x2f: {  	lr =	sadd.s32 s0, s3;
	s0 =	sld [smem:$0x3FA5]  }
0x30: {  	s3 =	sld [smem:$0x3FA8]  }
0x31: {  	[smem:$0x3FB1] =	sst s10  }
0x32: {  	s10 =	sld [smem:$0x3FAF];
	_ =	sdelay $0x3  }
0x33: {  	p0 =	seq.s32 s10, $0x1;
	s10 =	sld [smem:$0x3FB1];
	_ =	sdelay $0x3  }
0x34: {  	[smem:$0x3FB1] =	sst s10  }
0x35: {  	s10 =	sld [smem:$0x3FB0];
	_ =	sdelay $0x3  }
0x36: {  	p1 =	seq.s32 s10, $0x1;
	s10 =	sld [smem:$0x3FB1];
	_ =	sdelay $0x3  }
0x37: {  	[smem:$0x3FB1] =	sst s10  }
0x38: {  	s10 =	sld [smem:$0x3FB2]  }
0x39: {  	_ = 	snop;
	(pc) =	sbr.ind lr, $3  }
0x3a: {  	_ = 	snop  }
0x3b: {  	_ = 	snop  }
0x3c: {  	p2 =	seq.s32 s10, $0x1;
	s10 =	sld [smem:$0x3FB1]  }
0x3d: {  	_ =	shalt  }
0x3e: {  	_ =	shalt  }
0x3f: {  	_ =	shalt  }
0x40: {  	_ =	shalt  }
0x41: {  	_ =	shalt  }
0x42: {  	_ =	shalt  }
0x43: {  	_ =	shalt  }
0x44: {  	_ =	shalt  }
0x45: {  	_ =	shalt  }
0x46: {  	_ =	shalt  }
0x47: {  	_ =	shalt  }
0x48: {  	_ =	shalt  }
0x49: {  	_ =	shalt  }
0x4a: {  	_ =	shalt  }
0x4b: {  	_ =	shalt  }
0x4c: {  	_ =	shalt  }
0x4d: {  	_ =	shalt  }
0x4e: {  	_ =	shalt  }
0x4f: {  	_ =	shalt  }
0x50: {  	_ =	shalt  }
0x51: {  	_ =	shalt  }
0x52: {  	_ =	shalt  }
0x53: {  	_ =	shalt  }
0x54: {  	_ =	shalt  }
0x55: {  	_ =	shalt  }
0x56: {  	_ =	shalt  }
0x57: {  	_ =	shalt  }
0x58: {  	_ =	shalt  }
0x59: {  	_ =	shalt  }
0x5a: {  	_ =	shalt  }
0x5b: {  	_ =	shalt  }
0x5c: {  	_ =	shalt  }
0x5d: {  	_ =	shalt  }
0x5e: {  	_ =	shalt  }
0x5f: {  	_ =	shalt  }
0x60: {  	_ =	shalt  }
0x61: {  	_ =	shalt  }
0x62: {  	_ =	shalt  }
0x63: {  	_ =	shalt  }
0x64: {  	_ =	shalt  }
0x65: {  	_ =	shalt  }
0x66: {  	_ =	shalt  }
0x67: {  	_ =	shalt  }
0x68: {  	_ =	shalt  }
0x69: {  	_ =	shalt  }
0x6a: {  	_ =	shalt  }
0x6b: {  	_ =	shalt  }
0x6c: {  	_ =	shalt  }
0x6d: {  	_ =	shalt  }
0x6e: {  	_ =	shalt  }
0x6f: {  	_ =	shalt  }
0x70: {  	_ =	shalt  }
0x71: {  	_ =	shalt  }
0x72: {  	_ =	shalt  }
0x73: {  	_ =	shalt  }
0x74: {  	_ =	shalt  }
0x75: {  	_ =	shalt  }
0x76: {  	_ =	shalt  }
0x77: {  	_ =	shalt  }
0x78: {  	_ =	shalt  }
0x79: {  	_ =	shalt  }
0x7a: {  	_ =	shalt  }
0x7b: {  	_ =	shalt  }
0x7c: {  	_ =	shalt  }
0x7d: {  	_ =	shalt  }
0x7e: {  	_ =	shalt  }
0x7f: {  	_ =	shalt  }
0x80: {  	_ =	shalt  }
0x81: {  	_ =	shalt  }
0x82: {  	_ =	shalt  }
0x83: {  	_ =	shalt  }
0x84: {  	_ =	shalt  }
0x85: {  	_ =	shalt  }
0x86: {  	_ =	shalt  }
0x87: {  	_ =	shalt  }
.Lfunc_end0:
.L_simem_size_0:
called_computation.2_lowered:
.L_overlay_start_0:
0x88: {  	s2 =	sld [smem:$0x3FD9]  }
0x89: {  	s3 =	sld [smem:$0x3FFE];
	_ =	sdelay $0x1  }
0x8a: {  	s1 =	srdreg.scid  }
0x8b: {  	s0 =	sand.u32 $0x1, s1  }
0x8c: {  	s17 =	sshll.u32 s0, $0xA;
	s2 =	sadd.s32 s3, s2  }
0x8d: {  	s2 =	sadd.s32 s2, s17  }
0x8e: {  	[smem:$0x3FBD] =	sst s2  }
0x8f: {  	_ = 	snop  }
0x90: {  	s18 =	sld [smem:$0x3FD0];
	(tm) =	ssettm $0x1  }
0x91: {  	s19 =	sld [smem:$0x3FFB];
	_ =	sdelay $0x3  }
0x92: {  	_ =	strace s19  }
0x93: {  	s2 =	sld [smem:$0x3FFC];
	_ =	sdelay $0x3  }
0x94: {  	_ =	strace s2  }
0x95: {  	s2 =	sld [smem:$0x3FFD];
	_ =	sdelay $0x3  }
0x96: {  	_ =	strace s2  }
0x97: {  	_ =	strace $0x8FFFFFFF  }
0x98: {  	s20 =	sld [smem:$0x3FDB];
	_ =	sdelay $0x1  }
0x99: {  	s4 =	simm.s32 $_scs_section_size  }
0x9a: {  	s5 =	simm.s32 $_size__tile_overlayer_lowered;
	s6 =	simm.s32 $_tile_overlayer_lowered  }
0x9b: {  	s7 =	simm.s32 $0x1BFF;
	s21 =	sshll.u32 s6, $0x1;
	s4 =	sadd.s32 s4, s20  }
0x9c: {  	s22 =	simm.s32 $0x0;
	s5 =	sshll.u32 s5, $0x1;
	s6 =	sadd.s32 s21, s4  }
0x9d: {  	[timem:s22], [sflag:s7] =	dma.local [hbm:s6], s5  }
0x9e: {  	_ =	swait.ge [sflag:s7], s5  }
0x9f: {  	s5 =	ssub.s32 $0x0, s5;
	[sflag:s7] =	ssyncset.done $0x0  }
0xa0: {  	[sflag:s7] =	ssyncadd.s32 s5;
	_ =	sdelay $0x1  }
0xa1: {  	s23 =	simm.s32 $0x1B8B  }
0xa2: {  	_ =	swait.ge [sflag:s23], $0x1  }
0xa3: {  	[sflag:s23] =	ssyncset.done $0x0  }
0xa4: {  	[sflag:s23] =	ssyncadd.s32 $0xFFFFFFFF  }
0xa5: {  	s5 =	sld [smem:$0x0]  }
0xa6: {  	s6 =	sand.u32 $0xFFFFFFFE, s1  }
0xa7: {  	p0 =	sne.s32 s1, s6  }
0xa8: {  	s6 =	sshll.u32 @p0 s6, $0xE  }
0xa9: {  	s6 =	sadd.s32 @p0 $0x11B8D, s6;
	s7 =	sshll.u32 @p0 s5, $0x11  }
0xaa: {  	s6 =	sor.u32 @p0 s7, s6  }
0xab: {  	[sflag:s6] =	ssyncadd.remote.s32 @p0 $0x1;
	_ =	sdelay $0x1  }
0xac: {  	s6 =	simm.s32 @p0 $0x1B8D  }
0xad: {  	_ =	swait.eq @p0 [sflag:s6], $0x1  }
0xae: {  	[sflag:s6] =	ssyncadd.s32 @p0 $0xFFFFFFFF  }
0xaf: {  	s7 =	sshll.u32 @!p0 s1, $0xE  }
0xb0: {  	s7 =	sor.u32 @!p0 $0x4000, s7;
	s6 =	simm.s32 @!p0 $0x1B8D  }
0xb1: {  	s5 =	sshll.u32 @!p0 s5, $0x11;
	s7 =	sadd.s32 @!p0 $0x11B8D, s7;
	_ =	swait.eq @!p0 [sflag:s6], $0x1  }
0xb2: {  	s5 =	sor.u32 @!p0 s5, s7;
	[sflag:s6] =	ssyncadd.s32 @!p0 $0xFFFFFFFF  }
0xb3: {  	s25 =	simm.s32 $0x1B8E;
	s24 =	sld [smem:$0x3FFE];
	[sflag:s5] =	ssyncadd.remote.s32 @!p0 $0x1  }
0xb4: {  	s26 =	simm.s32 $execute0_lowered;
	[smem:$0x3FD2] =	sst s25  }
0xb5: {  	s6 =	sshll.u32 s26, $0x1;
	_ =	strace $0x80000049;
	[dreg:$0x1] =	wrdreg $0xFFFFFFFF  }
0xb6: {  	s28 =	simm.s32 $_size_execute0_lowered;
	s4 =	sadd.s32 s4, s6;
	[dreg:$0x0] =	wrdreg $0x0  }
0xb7: {  	s6 =	sshll.u32 s28, $0x1;
	[dreg:$0x2] =	wrdreg s4  }
0xb8: {  	[dreg:$0x3] =	wrdreg s6  }
0xb9: {  	[dreg:$0x4] =	wrdreg $0xC0  }
0xba: {  	_ =	task [dreg:s22], $0x5FFFF  }
0xbb: {  	[dreg:$0x1] =	wrdreg $0xFFFFFFFF  }
0xbc: {  	[dreg:$0x0] =	wrdreg $0x60  }
0xbd: {  	[dreg:$0x2] =	wrdreg s24  }
0xbe: {  	[dreg:$0x3] =	wrdreg s18  }
0xbf: {  	[dreg:$0x4] =	wrdreg $0xA  }
0xc0: {  	_ =	task.clear_ibuf [dreg:s22], $0x5FFFF;
	_ =	strace $0x90000049  }
0xc1: {  	s29 =	simm.s32 $0xA;
	_ =	strace $0x8000004B  }
0xc2: {  	_ =	swait.ge [sflag:s29], $0x1  }
0xc3: {  	[sflag:s29] =	ssyncadd.s32 $0xFFFFFFFF  }
0xc4: {  	_ =	strace $0x9000004B  }
0xc5: {  	_ =	sfence  }
0xc6: {  	s30 =	sld [smem:$0x0];
	_ =	sdelay $0x2  }
0xc7: {  	s31 =	sshll.u32 s1, $0xD;
	s1 =	sshrl.u32 s1, $0x2  }
0xc8: {  	s4 =	sand.u32 $0x4000, s31;
	s1 =	sadd.s32 s1, s30  }
0xc9: {  	s0 =	sor.u32 s4, s0;
	s1 =	sshll.u32 s1, $0x11  }
0xca: {  	s0 =	sor.u32 s1, s0  }
0xcb: {  	s0 =	sadd.s32 $0x8F2B, s0  }
0xcc: {  	[sflag:s0] =	ssyncadd.remote.s32 $0x1  }
0xcd: {  	_ =	sfence.sel $0xFFFF  }
0xce: {  	[dreg:$0x0] =	wrdreg $0xFFFFFFFF;
	(pc) =	sbr.abs _section_cstart, $3  }
0xcf: {  	[dreg:$0x1] =	wrdreg $0xFFFFFFFF  }
0xd0: {  	_ =	task.clear_ibuf [dreg:s22], $0x2FFFF;
	_ =	strace $0x9FFFFFFF  }
0xd1: {  	(tm) =	ssettm $0x7FFFFFFF  }
tec
execute0_lowered:
.L_overlay_start_1:
0x0: {  	(tag) =	ssettag $0x1  }
0x1: {  	s0 =	srdreg.scid  }
0x2: {  	s1 =	sshll.u32 s0, $0x4  }
0x3: {  	s0 =	stileid.u32;
	s1 =	sand.u32 $0x10, s1  }
0x4: {  	s2 =	sor.u32 s0, s1  }
0x5: {  	s1 =	smul.u32 $0x3, s2  }
0x6: {  	s3 =	smin.u32 s2, $0x4  }
0x7: {  	s1 =	sadd.s32 s3, s1  }
0x8: {  	p0 =	slt.u32 s2, $0x4;
	s2 =	simm.s32 $0x640;
	s1 =	smul.u32 $0x190, s1  }
0x9: {  	s2 =	simm.s32 @!p0 $0x4B0  }
0xa: {  	s2 =	sadd.s32 s2, s1  }
0xb: {  	s3 =	smin.u32 s2, $0x9C40  }
0xc: {  	s7 =	ssub.s32 s3, s1  }
0xd: {  	p0 =	sgt.s32 s7, $0x0  }
0xe: {  	s7 =	simm.s32 @!p0 $0x0  }
0xf: {  	s31 =	sand.u32 $0xFFF0, s7  }
0x10: {  	s2 =	sshrl.u32 s31, $0x4  }
0x11: {  	s9 =	rddreg [dreg:$0x0];
	s2 =	smul.u32 $0xA3E, s2  }
0x12: {  	s4 =	rddreg [dreg:$0x1];
	s6 =	simm.s32 $0x1  }
0x13: {  	s11 =	simm.s32 $0x3;
	s13 =	simm.s32 $0x0;
	s8 =	sshrl.u32 s2, $0x10  }
0x14: {  	s12 =	simm.s32 $0x0;
	s5 =	sadd.s32 $0x620600, s9;
	s10 =	smul.u32 $0x190, s8  }
.Ltmp0:
0x15: {  	s9 =	sadd.s32 $0x3200, s9;
	s2 =	rddreg [dreg:$0x2];
	(pc) =	sbr.rel .LBB2_1-.Ltmp0, $4  }
0x16: {  	_ =	strace $0x8000004A;
	p0 =	sne.s32 s7, s10;
	s10 =	simm.s32 $0x1  }
0x17: {  	[sflag:s6] =	ssyncpa.u1 $0x0;
	s7 =	simm.s32 $0x2;
	s10 =	simm.s32 @!p0 $0x0  }
0x18: {  	[sflag:s7] =	ssyncpa.u1 $0x0;
	p0 =	por $0x0, $0x0;
	s8 =	sadd.s32 s8, s10  }
0x19: {  	vm0 =	vmmov $0xff;
	vm1 =	vcmask $0x3F20;
	[sflag:s11] =	ssyncpa.u1 $0x0;
	s11 =	smov.u32 s1;
	s10 =	sadd.s32 $0x1, s8  }
.LBB2_6:
0x1a: {  	[hbm:s17] =	stream.linear.scatter [tilespmem:s14], [sflag:$0x3], $0x400, $0x38;
	[tilespmem:$0x19320] =	vst v63  }
.LBB2_7:
0x1b: {  	s13 =	sadd.s32 $0x190, s11  }
0x1c: {  	s15 =	smov.u32 s1;
	p2 =	slt.s32 s13, s3  }
0x1d: {  	s15 =	smov.u32 @p2 s13;
	p2 =	sne.s32 s12, s10  }
.Ltmp1:
0x1e: {  	p1 =	slt.u32 s12, $0x2;
	(pc) =	sbr.rel @!p2 .LBB2_8-.Ltmp1, $4  }
0x1f: {  	s14 =	simm.s32 @!p1 $0x3  }
0x20: {  	s16 =	sadd.s32 $0x1, s12;
	_ =	swait.ge @!p1 [sflag:s14], $0xC800  }
0x21: {  	p0 =	por !p0, !p0;
	s13 =	smov.u32 s11;
	[sflag:s14] =	ssyncset.done @!p1 $0x0  }
0x22: {  	s12 =	smov.u32 s16;
	s11 =	smov.u32 s15;
	[sflag:s14] =	ssyncadd.s32 @!p1 $0xFFFF3800  }
.LBB2_1:
0x23: {  	p1 =	sge.u32 s12, s8  }
0x24: {  	s14 =	sxor.u32 @!p1 $0xFFFFFFFF, s12  }
0x25: {  	s14 =	sand.u32 @!p1 $0x1, s14  }
0x26: {  	s14 =	smul.u32 @!p1 $0x640, s14  }
0x27: {  	s31 =	sadd.s32 $0xFFFFFFFF, s12;
	s15 =	sshrl.u32 @!p1 s11, $0x3  }
0x28: {  	s16 =	sand.u32 @!p1 $0x7, s11;
	s15 =	sadd.s32 @!p1 s4, s15;
	s14 =	sshrl.u32 @!p1 s14, $0x2  }
0x29: {  	[tilespmem:s14], [sflag:$0x2] =	stream.linear.gather @!p1 [hbm4b:s15+s16], $0x190, $0x38;
	[tilespmem:$0x19320] =	vst v63  }
0x2a: {  	p1 =	sge.u32 s31, s8  }
.Ltmp2:
0x2b: {  	_ = 	snop;
	(pc) =	sbr.rel @p1 .LBB2_7-.Ltmp2, $1  }
0x2c: {  	_ =	sdelay $0x3  }
0x2d: {  	s14 =	simm.s32 $0x1  }
0x2e: {  	s14 =	simm.s32 @!p0 $0x0  }
0x2f: {  	s15 =	smul.u32 $0x640, s14  }
0x30: {  	_ =	swait.ge [sflag:s7], $0x190  }
0x31: {  	[sflag:s7] =	ssyncset.done $0x0;
	s16 =	sshrl.u32 s15, $0x2  }
0x32: {  	[sflag:s7] =	ssyncadd.s32 $0xFFFFFE70;
	s15 =	sadd.s32 $0x0, s16  }
0x33: {  	v0 =	vld.msk [tilespmem:s15+$0x0 ss:$0x1], $0xffff;
	_ =	sdelay $0x4  }
0x34: {  	vm2 =	vgt.s32 v0, $0x0  }
0x35: {  	v0 =	vnsel vm2, $0x0, v0  }
0x36: {  	v0 =	vmin.u32 v0, $0x61A7F  }
0x37: {  	v0 =	vshll.u32 v0, $0x4  }
0x38: {  	s14 =	smul.u32 $0x32000, s14;
	_ =	sdelay $0x1  }
0x39: {  	s14 =	sshrl.u32 s14, $0x2  }
0x3a: {  	s14 =	sor.u32 $0x320, s14  }
0x3b: {  	[tilespmem:s14], [sflag:$0x1] =	stream.indirect_vreg.gather [hbm:s5], $0x80, v0, vm0, $0x38;
	[tilespmem:$0x19320] =	vst v63  }
0x3c: {  	s17 =	sadd.s32 $0x10, s16;
	s15 =	sadd.s32 $0x400, s14  }
0x3d: {  	[tilespmem:s15], [sflag:$0x1] =	stream.indirect_vreg.gather [hbm:s5], $0x80, v0, vm1, $0x38;
	[tilespmem:$0x19320] =	vst v63  }
0x3e: {  	s18 =	simm.s32 $0x80;
	v0 =	vld.msk [tilespmem:s17+$0x0 ss:$0x1], $0xffff;
	s17 =	smov.u32 s14  }
.LBB2_3:
0x3f: {  	p1 =	sne.s32 s18, $0x600;
	_ =	sdelay $0x4  }
0x40: {  	vm2 =	vgt.s32 v0, $0x0  }
0x41: {  	v0 =	vnsel vm2, $0x0, v0  }
0x42: {  	v0 =	vmin.u32 v0, $0x61A7F  }
0x43: {  	v0 =	vshll.u32 v0, $0x4;
	_ =	sdelay $0x3  }
.Ltmp3:
0x44: {  	s19 =	sshra.s32 s18, $0x2;
	s17 =	sadd.s32 $0x800, s17;
	(pc) =	sbr.rel @p1 .LBB2_3-.Ltmp3, $4  }
0x45: {  	[tilespmem:s17], [sflag:$0x1] =	stream.indirect_vreg.gather [hbm:s5], $0x80, v0, vm0, $0x38;
	[tilespmem:$0x19320] =	vst v63  }
0x46: {  	s19 =	sadd.s32 s19, s16;
	s20 =	sadd.s32 $0x400, s17  }
0x47: {  	[tilespmem:s20], [sflag:$0x1] =	stream.indirect_vreg.gather [hbm:s5], $0x80, v0, vm1, $0x38;
	[tilespmem:$0x19320] =	vst v63  }
0x48: {  	s18 =	sadd.s32 $0x40, s18;
	v0 =	vld.msk [tilespmem:s19+$0x0 ss:$0x1], $0xffff  }
0x49: {  	_ =	sdelay $0x3  }
0x4a: {  	vm2 =	vgt.s32 v0, $0x0  }
0x4b: {  	v0 =	vnsel vm2, $0x0, v0  }
0x4c: {  	v0 =	vmin.u32 v0, $0x61A7F  }
0x4d: {  	v0 =	vshll.u32 v0, $0x4;
	_ =	sdelay $0x3  }
0x4e: {  	s16 =	sadd.s32 $0x800, s17  }
0x4f: {  	[tilespmem:s16], [sflag:$0x1] =	stream.indirect_vreg.gather [hbm:s5], $0x80, v0, vm0, $0x38;
	[tilespmem:$0x19320] =	vst v63  }
0x50: {  	s16 =	sadd.s32 $0x400, s16  }
0x51: {  	[tilespmem:s16], [sflag:$0x1] =	stream.indirect_vreg.gather [hbm:s5], $0x80, v0, vm1, $0x38;
	[tilespmem:$0x19320] =	vst v63  }
0x52: {  	s13 =	sshll.u32 s13, $0x4;
	_ =	swait.ge [sflag:s6], $0xC800  }
0x53: {  	s13 =	sadd.s32 s13, s9;
	[sflag:s6] =	ssyncset.done $0x0  }
0x54: {  	s17 =	sadd.s32 $0x0, s13;
	s16 =	simm.s32 $0x80;
	[sflag:s6] =	ssyncadd.s32 $0xFFFF3800  }
.LBB2_5:
0x55: {  	[hbm:s17] =	stream.linear.scatter [tilespmem:s14], [sflag:$0x3], $0x400, $0x38;
	[tilespmem:$0x19320] =	vst v63  }
0x56: {  	s17 =	smov.u32 s16;
	s14 =	smov.u32 s15;
	p1 =	sne.s32 s16, $0x1880  }
.Ltmp4:
0x57: {  	s16 =	sadd.s32 $0x80, s16;
	(pc) =	sbr.rel @p1 .LBB2_5-.Ltmp4, $2  }
0x58: {  	_ =	sdelay $0x2  }
0x59: {  	s15 =	sadd.s32 $0x400, s15;
	s17 =	sadd.s32 s17, s13  }
.Ltmp5:
0x5a: {  	_ = 	snop;
	(pc) =	sbr.rel .LBB2_6-.Ltmp5, $1  }
0x5b: {  	_ =	sdelay $0x3  }
.LBB2_8:
0x5c: {  	_ =	sfence.sel $0x180000  }
0x5d: {  	s1 =	simm.s32 $0x2;
	[bflag:$0x0] =	sbarrier.arrive $0xFFFF  }
0x5e: {  	s30 =	simm.s32 $0x3;
	[sflag:s1] =	ssyncpa.u1 $0x1  }
0x5f: {  	s31 =	simm.s32 $0x1;
	[sflag:s30] =	ssyncpa.u1 $0x1  }
0x60: {  	[sflag:s31] =	ssyncpa.u1 $0x1  }
0x61: {  	p0 =	sne.s32 s0, $0x0;
	_ =	strace $0x9000004A  }
0x62: {  	s0 =	sadd.s32 @!p0 $0x100000, s2;
	[bflag:$0x2] =	sbarrier.arrive $0xFFFF  }
0x63: {  	[sflag:s0] =	ssyncadd.tile.s32 @!p0 $0x1;
	_ =	shalt  }
.Lfunc_end2:
_tile_overlayer_lowered:
.L_overlay_start_2:
0x64: {  	(tag) =	ssettag $0x2  }
0x65: {  	s0 =	rddreg [dreg:$0x0];
	s2 =	stileid.u32  }
0x66: {  	s1 =	rddreg [dreg:$0x1];
	p0 =	sne.s32 s2, $0x0  }
0x67: {  	s3 =	rddreg [dreg:$0x2];
	[bflag:$0x3] =	sbarrier.arrive $0xFFFF;
	s2 =	simm.s32 @!p0 $0x1C01  }
0x68: {  	[timem:s3], [sflag:s2] =	dma.local @!p0 [hbm:s0], s1  }
0x69: {  	s0 =	simm.s32 @!p0 $0x1  }
0x6a: {  	_ =	swait.ge @!p0 [sflag:s0], s1  }
0x6b: {  	s1 =	ssub.s32 @!p0 $0x0, s1;
	[sflag:s0] =	ssyncset.done @!p0 $0x0  }
0x6c: {  	[sflag:s0] =	ssyncadd.s32 @!p0 s1  }
0x6d: {  	[bflag:$0x3] =	sbarrier.arrive $0xFFFF  }
0x6e: {  	_ =	shalt  }

// kernel: gather_offload_async_start
scs
__scs_entry_jumppad:
0x0: {  	(pc) =	sbr.rel $0x88, $3  }
0x1: {  	(tag) =	ssettag $0x0;
	lr =	simm.s32 $0x1  }
0x2: {  	[smem:$0x3F96] =	sst lr;
	_ =	strace $0xD0000000  }
0x3: {  	_ = 	snop  }
0x4: {  	_ = 	snop  }
0x5: {  	_ = 	snop  }
0x6: {  	_ = 	snop  }
0x7: {  	_ = 	snop  }
__scs_overlays_trampoline_lowered:
0x8: {  	[smem:$0x3FA5] =	sst s0  }
0x9: {  	[smem:$0x3FA6] =	sst s1  }
0xa: {  	[smem:$0x3FA7] =	sst s2  }
0xb: {  	[smem:$0x3FA8] =	sst s3  }
0xc: {  	[smem:$0x3FA9] =	sst s4  }
0xd: {  	[smem:$0x3FAA] =	sst s5  }
0xe: {  	[smem:$0x3FAB] =	sst s6  }
0xf: {  	[smem:$0x3FAC] =	sst s7  }
0x10: {  	[smem:$0x3FAD] =	sst s8  }
0x11: {  	[smem:$0x3FAE] =	sst s9;
	s0 =	simm.s32 @!p0 $0x0  }
0x12: {  	s1 =	sld [smem:$0x3F94];
	s0 =	simm.s32 @p0 $0x1  }
0x13: {  	[smem:$0x3FAF] =	sst s0;
	s0 =	simm.s32 @!p1 $0x0  }
0x14: {  	s2 =	sld [smem:$0x3F93];
	s0 =	simm.s32 @p1 $0x1  }
0x15: {  	[smem:$0x3FB0] =	sst s0;
	s0 =	simm.s32 @!p2 $0x0  }
0x16: {  	s3 =	sld [smem:$0x3FDB];
	s0 =	simm.s32 @p2 $0x1  }
0x17: {  	s4 =	simm.s32 $0x1BF5;
	[smem:$0x3FB2] =	sst s0  }
0x18: {  	s0 =	sld [smem:$0x3F95];
	_ =	swait.ge [sflag:s4], $0x0  }
0x19: {  	s7 =	sld [smem:$0x3F96]  }
0x1a: {  	s8 =	sadd.s32 $0xFFFFE003, lr  }
0x1b: {  	s9 =	sadd.s32 $0xFFFFFEF7, lr;
	s5 =	simm.s32 $0xFFFFFFFF;
	p2 =	slt.u32 s8, $0xFFFFF086  }
0x1c: {  	p1 =	slt.u32 s9, $0xF7A;
	s5 =	simm.s32 @!p2 $0x0  }
0x1d: {  	s5 =	simm.s32 @p1 $0x1;
	p0 =	seq.s32 s7, s2  }
0x1e: {  	s7 =	smul.u32 @!p0 $0xF7A, s2;
	p2 =	seq.s32 @!p0 s5, $0x0  }
0x1f: {  	s9 =	smul.u32 $0xF7A, s1;
	s8 =	simm.s32 @!p0 $0x1BF5;
	p2 =	por !p2, p0  }
0x20: {  	[sflag:s8] =	ssyncset.s32 @!p0 $0xFFFFF086;
	s6 =	sadd.s32 @!p0 s3, s7;
	s7 =	simm.s32 @!p0 $0x108  }
0x21: {  	s3 =	sadd.s32 s3, s9;
	s6 =	sadd.s32 @!p0 $0x88, s6;
	s7 =	simm.s32 @p2 $0x1082  }
0x22: {  	[simem:s7], [sflag:s8] =	dma.local @!p0 [hbm:s6], $0xF7A  }
0x23: {  	s9 =	sor.u32 $0xD0000000, s2;
	s6 =	simm.s32 $0x108;
	_ =	swait.ge @!p0 [sflag:s8], $0x0  }
0x24: {  	s3 =	sadd.s32 $0x88, s3;
	s6 =	simm.s32 @!p1 $0x1082;
	[sflag:s4] =	ssyncset.s32 $0xFFFFF086  }
0x25: {  	[simem:s6], [sflag:s4] =	dma.local [hbm:s3], $0xF7A  }
0x26: {  	[smem:$0x3F96] =	sst s1;
	(tag) =	ssettag s2;
	_ =	strace s9  }
0x27: {  	s1 =	sld [smem:$0x3FA6]  }
0x28: {  	s2 =	sld [smem:$0x3FA7]  }
0x29: {  	s4 =	sld [smem:$0x3FA9]  }
0x2a: {  	p0 =	seq.s32 s5, $0x0;
	s5 =	sld [smem:$0x3FAA]  }
0x2b: {  	s6 =	sld [smem:$0x3FAB]  }
0x2c: {  	s7 =	sld [smem:$0x3FAC]  }
0x2d: {  	s3 =	simm.s32 $0x108;
	s8 =	sld [smem:$0x3FAD]  }
0x2e: {  	s3 =	simm.s32 @!p0 $0x1082;
	s9 =	sld [smem:$0x3FAE]  }
0x2f: {  	lr =	sadd.s32 s0, s3;
	s0 =	sld [smem:$0x3FA5]  }
0x30: {  	s3 =	sld [smem:$0x3FA8]  }
0x31: {  	[smem:$0x3FB1] =	sst s10  }
0x32: {  	s10 =	sld [smem:$0x3FAF];
	_ =	sdelay $0x3  }
0x33: {  	p0 =	seq.s32 s10, $0x1;
	s10 =	sld [smem:$0x3FB1];
	_ =	sdelay $0x3  }
0x34: {  	[smem:$0x3FB1] =	sst s10  }
0x35: {  	s10 =	sld [smem:$0x3FB0];
	_ =	sdelay $0x3  }
0x36: {  	p1 =	seq.s32 s10, $0x1;
	s10 =	sld [smem:$0x3FB1];
	_ =	sdelay $0x3  }
0x37: {  	[smem:$0x3FB1] =	sst s10  }
0x38: {  	s10 =	sld [smem:$0x3FB2]  }
0x39: {  	_ = 	snop;
	(pc) =	sbr.ind lr, $3  }
0x3a: {  	_ = 	snop  }
0x3b: {  	_ = 	snop  }
0x3c: {  	p2 =	seq.s32 s10, $0x1;
	s10 =	sld [smem:$0x3FB1]  }
0x3d: {  	_ =	shalt  }
0x3e: {  	_ =	shalt  }
0x3f: {  	_ =	shalt  }
0x40: {  	_ =	shalt  }
0x41: {  	_ =	shalt  }
0x42: {  	_ =	shalt  }
0x43: {  	_ =	shalt  }
0x44: {  	_ =	shalt  }
0x45: {  	_ =	shalt  }
0x46: {  	_ =	shalt  }
0x47: {  	_ =	shalt  }
0x48: {  	_ =	shalt  }
0x49: {  	_ =	shalt  }
0x4a: {  	_ =	shalt  }
0x4b: {  	_ =	shalt  }
0x4c: {  	_ =	shalt  }
0x4d: {  	_ =	shalt  }
0x4e: {  	_ =	shalt  }
0x4f: {  	_ =	shalt  }
0x50: {  	_ =	shalt  }
0x51: {  	_ =	shalt  }
0x52: {  	_ =	shalt  }
0x53: {  	_ =	shalt  }
0x54: {  	_ =	shalt  }
0x55: {  	_ =	shalt  }
0x56: {  	_ =	shalt  }
0x57: {  	_ =	shalt  }
0x58: {  	_ =	shalt  }
0x59: {  	_ =	shalt  }
0x5a: {  	_ =	shalt  }
0x5b: {  	_ =	shalt  }
0x5c: {  	_ =	shalt  }
0x5d: {  	_ =	shalt  }
0x5e: {  	_ =	shalt  }
0x5f: {  	_ =	shalt  }
0x60: {  	_ =	shalt  }
0x61: {  	_ =	shalt  }
0x62: {  	_ =	shalt  }
0x63: {  	_ =	shalt  }
0x64: {  	_ =	shalt  }
0x65: {  	_ =	shalt  }
0x66: {  	_ =	shalt  }
0x67: {  	_ =	shalt  }
0x68: {  	_ =	shalt  }
0x69: {  	_ =	shalt  }
0x6a: {  	_ =	shalt  }
0x6b: {  	_ =	shalt  }
0x6c: {  	_ =	shalt  }
0x6d: {  	_ =	shalt  }
0x6e: {  	_ =	shalt  }
0x6f: {  	_ =	shalt  }
0x70: {  	_ =	shalt  }
0x71: {  	_ =	shalt  }
0x72: {  	_ =	shalt  }
0x73: {  	_ =	shalt  }
0x74: {  	_ =	shalt  }
0x75: {  	_ =	shalt  }
0x76: {  	_ =	shalt  }
0x77: {  	_ =	shalt  }
0x78: {  	_ =	shalt  }
0x79: {  	_ =	shalt  }
0x7a: {  	_ =	shalt  }
0x7b: {  	_ =	shalt  }
0x7c: {  	_ =	shalt  }
0x7d: {  	_ =	shalt  }
0x7e: {  	_ =	shalt  }
0x7f: {  	_ =	shalt  }
0x80: {  	_ =	shalt  }
0x81: {  	_ =	shalt  }
0x82: {  	_ =	shalt  }
0x83: {  	_ =	shalt  }
0x84: {  	_ =	shalt  }
0x85: {  	_ =	shalt  }
0x86: {  	_ =	shalt  }
0x87: {  	_ =	shalt  }
.Lfunc_end0:
.L_simem_size_0:
called_computation_lowered:
.L_overlay_start_0:
0x88: {  	s2 =	sld [smem:$0x3FD9]  }
0x89: {  	s3 =	sld [smem:$0x3FFE];
	_ =	sdelay $0x1  }
0x8a: {  	s1 =	srdreg.scid  }
0x8b: {  	s0 =	sand.u32 $0x1, s1  }
0x8c: {  	s17 =	sshll.u32 s0, $0xA;
	s2 =	sadd.s32 s3, s2  }
0x8d: {  	s2 =	sadd.s32 s2, s17  }
0x8e: {  	[smem:$0x3FBD] =	sst s2  }
0x8f: {  	_ = 	snop  }
0x90: {  	s2 =	sld [smem:$0x3FC5]  }
0x91: {  	s18 =	sld [smem:$0x3FD0];
	(tm) =	ssettm $0x1  }
0x92: {  	s4 =	sld [smem:$0x3FFB];
	_ =	sdelay $0x3  }
0x93: {  	_ =	strace s4  }
0x94: {  	s4 =	sld [smem:$0x3FFC];
	_ =	sdelay $0x3  }
0x95: {  	_ =	strace s4  }
0x96: {  	s4 =	sld [smem:$0x3FFD];
	_ =	sdelay $0x3  }
0x97: {  	_ =	strace s4  }
0x98: {  	_ =	strace $0x8FFFFFFF  }
0x99: {  	s19 =	sld [smem:$0x3FDB];
	_ =	sdelay $0x1  }
0x9a: {  	s5 =	simm.s32 $_scs_section_size  }
0x9b: {  	s6 =	simm.s32 $_size__tile_overlayer_lowered;
	s7 =	simm.s32 $_tile_overlayer_lowered  }
0x9c: {  	s22 =	simm.s32 $0x1BFF;
	s21 =	sshll.u32 s7, $0x1;
	s4 =	sadd.s32 s5, s19  }
0x9d: {  	s8 =	simm.s32 $0x0;
	s20 =	sshll.u32 s6, $0x1;
	s6 =	sadd.s32 s21, s4  }
0x9e: {  	[timem:s8], [sflag:s22] =	dma.local [hbm:s6], s20  }
0x9f: {  	_ =	swait.ge [sflag:s22], s20  }
0xa0: {  	s5 =	ssub.s32 $0x0, s20;
	[sflag:s22] =	ssyncset.done $0x0  }
0xa1: {  	[sflag:s22] =	ssyncadd.s32 s5;
	_ =	sdelay $0x1  }
0xa2: {  	s23 =	simm.s32 $0x1B8B  }
0xa3: {  	_ =	swait.ge [sflag:s23], $0x1  }
0xa4: {  	[sflag:s23] =	ssyncset.done $0x0  }
0xa5: {  	s25 =	simm.s32 $0x1B8E;
	s24 =	sld [smem:$0x3FFE];
	[sflag:s23] =	ssyncadd.s32 $0xFFFFFFFF  }
0xa6: {  	s26 =	simm.s32 $execute0_lowered;
	[smem:$0x3FD2] =	sst s25  }
0xa7: {  	s6 =	sshll.u32 s26, $0x1;
	_ =	strace $0x8000004C;
	[dreg:$0x1] =	wrdreg $0xFFFFFFFF  }
0xa8: {  	s28 =	simm.s32 $_size_execute0_lowered;
	s4 =	sadd.s32 s4, s6;
	[dreg:$0x0] =	wrdreg $0x0  }
0xa9: {  	s6 =	sshll.u32 s28, $0x1;
	[dreg:$0x2] =	wrdreg s4  }
0xaa: {  	[dreg:$0x3] =	wrdreg s6  }
0xab: {  	[dreg:$0x4] =	wrdreg $0xC0  }
0xac: {  	_ =	task [dreg:s8], $0x5FFFF  }
0xad: {  	[dreg:$0x1] =	wrdreg $0xFFFFFFFF  }
0xae: {  	[dreg:$0x0] =	wrdreg $0x60  }
0xaf: {  	[dreg:$0x2] =	wrdreg s2  }
0xb0: {  	[dreg:$0x3] =	wrdreg s18  }
0xb1: {  	[dreg:$0x4] =	wrdreg s24  }
0xb2: {  	[dreg:$0x5] =	wrdreg $0x9  }
0xb3: {  	_ =	task.clear_ibuf [dreg:s8], $0x6FFFF;
	_ =	strace $0x9000004C  }
0xb4: {  	s29 =	simm.s32 $0x9;
	_ =	strace $0x8000004E  }
0xb5: {  	_ =	swait.ge [sflag:s29], $0x1  }
0xb6: {  	[sflag:s29] =	ssyncadd.s32 $0xFFFFFFFF  }
0xb7: {  	_ =	strace $0x9000004E  }
0xb8: {  	_ =	sfence  }
0xb9: {  	s30 =	sld [smem:$0x0];
	_ =	sdelay $0x2  }
0xba: {  	s31 =	sshll.u32 s1, $0xD;
	s1 =	sshrl.u32 s1, $0x2  }
0xbb: {  	s3 =	sand.u32 $0x4000, s31;
	s1 =	sadd.s32 s1, s30  }
0xbc: {  	s0 =	sor.u32 s3, s0;
	s1 =	sshll.u32 s1, $0x11  }
0xbd: {  	s0 =	sor.u32 s1, s0  }
0xbe: {  	s0 =	sadd.s32 $0x8F2B, s0  }
0xbf: {  	[sflag:s0] =	ssyncadd.remote.s32 $0x1  }
0xc0: {  	_ =	sfence.sel $0xFFFF  }
0xc1: {  	[dreg:$0x0] =	wrdreg $0xFFFFFFFF;
	(pc) =	sbr.abs _section_cstart, $3  }
0xc2: {  	[dreg:$0x1] =	wrdreg $0xFFFFFFFF  }
0xc3: {  	_ =	task.clear_ibuf [dreg:s8], $0x2FFFF;
	_ =	strace $0x9FFFFFFF  }
0xc4: {  	(tm) =	ssettm $0x7FFFFFFF  }
0xc5: {  	_ =	shalt  }
tec
execute0_lowered:
.L_overlay_start_1:
0x0: {  	(tag) =	ssettag $0x1  }
0x1: {  	s2 =	rddreg [dreg:$0x0]  }
0x2: {  	s3 =	rddreg [dreg:$0x1]  }
0x3: {  	s8 =	rddreg [dreg:$0x2];
	s1 =	stileid.u32  }
0x4: {  	s4 =	srdreg.scid;
	s0 =	rddreg [dreg:$0x3];
	_ =	strace $0x8000004D  }
0x5: {  	s7 =	simm.s32 $0x1;
	s9 =	simm.s32 $0x1;
	s10 =	simm.s32 $0x3  }
0x6: {  	s13 =	simm.s32 $0x0;
	s5 =	sand.u32 $0x1, s4;
	s6 =	sshll.u32 s1, $0x1  }
0x7: {  	s12 =	simm.s32 $0x0;
	s4 =	simm.s32 $0x1;
	s5 =	sor.u32 s6, s5  }
.Ltmp0:
0x8: {  	[sflag:s4] =	ssyncpa.u1 $0x0;
	p0 =	slt.u32 s5, $0x13;
	(pc) =	sbr.rel .LBB2_1-.Ltmp0, $4  }
0x9: {  	s6 =	simm.s32 $0x2;
	s7 =	simm.s32 @!p0 $0x0;
	p0 =	sne.s32 s5, $0x12  }
0xa: {  	[sflag:s6] =	ssyncpa.u1 $0x0;
	s5 =	smul.u32 $0x320, s5;
	s9 =	simm.s32 @!p0 $0x0  }
0xb: {  	s8 =	sadd.s32 $0x61E000, s8;
	[sflag:s10] =	ssyncpa.u1 $0x0;
	s7 =	sadd.s32 s9, s7  }
0xc: {  	vm0 =	vmmov $0xffff;
	s10 =	simm.s32 $0x0;
	s11 =	smov.u32 s5;
	s9 =	sadd.s32 $0x1, s7  }
.LBB2_4:
0xd: {  	v2 =	vnsel vm1, $0x0, v2  }
0xe: {  	vm1 =	vgt.s32 v0, $0x0;
	v2 =	vmin.u32 v2, $0x61A7F  }
0xf: {  	v0 =	vnsel vm1, $0x0, v0  }
0x10: {  	v0 =	vmin.u32 v0, $0x61A7F  }
0x11: {  	[tilespmem:s18], [sflag:$0x1] =	stream.indirect_vreg.gather [hbm4b:s2+s10], $0x1, v1, vm0, $0x4038;
	[tilespmem:$0xC80] =	vst v63  }
0x12: {  	(ifvalue) =	ssetifvalue $0x7FFFFFFF  }
0x13: {  	[tilespmem:s15], [sflag:$0x1] =	stream.indirect_vreg.gather [hbm4b:s2+s10], $0x1, v2, vm0, $0x4038;
	[tilespmem:$0xC80] =	vst v63  }
0x14: {  	s29 =	sadd.s32 $0x10, s15;
	(ifvalue) =	ssetifvalue $0x7FFFFFFF  }
0x15: {  	[tilespmem:s29], [sflag:$0x1] =	stream.indirect_vreg.gather [hbm4b:s2+s10], $0x1, v0, vm0, $0x4038;
	[tilespmem:$0xC80] =	vst v63  }
0x16: {  	_ =	swait.ge [sflag:s4], $0x320  }
0x17: {  	s30 =	sshrl.u32 s13, $0x3;
	[sflag:s4] =	ssyncset.done $0x0  }
0x18: {  	s31 =	sand.u32 $0x7, s13;
	s15 =	sadd.s32 s8, s30;
	[sflag:s4] =	ssyncadd.s32 $0xFFFFFCE0  }
0x19: {  	[hbm4b:s15+s31] =	stream.linear.scatter [tilespmem:s14], [sflag:$0x3], $0x320, $0x38;
	[tilespmem:$0xC80] =	vst v63  }
.LBB2_5:
0x1a: {  	s15 =	sadd.s32 $0x6400, s11  }
0x1b: {  	p1 =	sgt.s32 s15, $0x9C3F  }
0x1c: {  	s15 =	smov.u32 @p1 s5;
	p1 =	sne.s32 s12, s9  }
.Ltmp1:
0x1d: {  	p0 =	slt.u32 s12, $0x2;
	(pc) =	sbr.rel @!p1 .LBB2_6-.Ltmp1, $4  }
0x1e: {  	s14 =	simm.s32 @!p0 $0x3  }
0x1f: {  	_ =	swait.ge @!p0 [sflag:s14], $0x320  }
0x20: {  	s16 =	sadd.s32 $0x1, s12;
	s13 =	smov.u32 s11;
	[sflag:s14] =	ssyncset.done @!p0 $0x0  }
0x21: {  	s12 =	smov.u32 s16;
	s11 =	smov.u32 s15;
	[sflag:s14] =	ssyncadd.s32 @!p0 $0xFFFFFCE0  }
.LBB2_1:
0x22: {  	p0 =	sge.u32 s12, s7  }
0x23: {  	s14 =	sxor.u32 @!p0 $0x1, s12  }
0x24: {  	s14 =	smul.u32 @!p0 $0xC80, s14  }
0x25: {  	s31 =	sadd.s32 $0xFFFFFFFF, s12;
	s15 =	sshrl.u32 @!p0 s11, $0x3  }
0x26: {  	s16 =	sand.u32 @!p0 $0x7, s11;
	s15 =	sadd.s32 @!p0 s3, s15;
	s14 =	sshra.s32 @!p0 s14, $0x2  }
0x27: {  	[tilespmem:s14], [sflag:$0x2] =	stream.linear.gather @!p0 [hbm4b:s15+s16], $0x320, $0x38;
	[tilespmem:$0xC80] =	vst v63  }
0x28: {  	p0 =	sge.u32 s31, s7  }
.Ltmp2:
0x29: {  	_ = 	snop;
	(pc) =	sbr.rel @p0 .LBB2_5-.Ltmp2, $1  }
0x2a: {  	_ =	sdelay $0x3  }
0x2b: {  	s14 =	sand.u32 $0x1, s12  }
0x2c: {  	_ =	swait.ge [sflag:s6], $0x320;
	p0 =	seq.s32 s14, $0x1;
	s14 =	simm.s32 $0x320  }
0x2d: {  	[sflag:s6] =	ssyncset.done $0x0;
	s14 =	simm.s32 @!p0 $0x0  }
0x2e: {  	[sflag:s6] =	ssyncadd.s32 $0xFFFFFCE0;
	(ifvalue) =	ssetifvalue $0x7FFFFFFF;
	v0 =	vld.msk [tilespmem:s14+$0x0 ss:$0x1], $0xffff;
	_ =	sdelay $0x4  }
0x2f: {  	s15 =	sadd.s32 $0x10, s14;
	vm1 =	vgt.s32 v0, $0x0  }
0x30: {  	v2 =	vld.msk [tilespmem:s15+$0x0 ss:$0x1], $0xffff;
	v1 =	vnsel vm1, $0x0, v0  }
0x31: {  	v1 =	vmin.u32 v1, $0x61A7F;
	_ =	sdelay $0x2  }
0x32: {  	s17 =	simm.s32 $0x20;
	s14 =	sadd.s32 $0x640, s14;
	s16 =	sadd.s32 $0x10, s15  }
0x33: {  	s15 =	sadd.s32 $0x10, s14;
	s18 =	smov.u32 s14;
	v0 =	vld.msk [tilespmem:s16+$0x0 ss:$0x1], $0xffff;
	vm1 =	vgt.s32 v2, $0x0;
	(ifvalue) =	ssetifvalue $0x7FFFFFFF  }
.LBB2_3:
0x34: {  	[tilespmem:s18], [sflag:$0x1] =	stream.indirect_vreg.gather [hbm4b:s2+s10], $0x1, v1, vm0, $0x4038;
	[tilespmem:$0xC80] =	vst v63  }
0x35: {  	s17 =	sadd.s32 $0x10, s17  }
0x36: {  	v2 =	vnsel vm1, $0x0, v2;
	p0 =	slt.u32 s17, $0x310  }
.Ltmp3:
0x37: {  	s18 =	smov.u32 s15;
	v1 =	vmin.u32 v2, $0x61A7F;
	(pc) =	sbr.rel @p0 .LBB2_3-.Ltmp3, $3  }
0x38: {  	_ =	sdelay $0x1  }
0x39: {  	s16 =	sadd.s32 $0x10, s16  }
0x3a: {  	vm1 =	vgt.s32 v0, $0x0;
	s15 =	sadd.s32 $0x10, s15;
	v2 =	vmov v0;
	(ifvalue) =	ssetifvalue $0x7FFFFFFF;
	v0 =	vld.msk [tilespmem:s16+$0x0 ss:$0x1], $0xffff  }
.Ltmp4:
0x3b: {  	_ = 	snop;
	(pc) =	sbr.rel .LBB2_4-.Ltmp4, $1  }
0x3c: {  	_ =	sdelay $0x3  }
.LBB2_6:
0x3d: {  	_ =	sfence.sel $0x180000  }
0x3e: {  	s2 =	simm.s32 $0x2;
	[bflag:$0x0] =	sbarrier.arrive $0xFFFF  }
0x3f: {  	s30 =	simm.s32 $0x3;
	[sflag:s2] =	ssyncpa.u1 $0x1  }
0x40: {  	s31 =	simm.s32 $0x1;
	[sflag:s30] =	ssyncpa.u1 $0x1  }
0x41: {  	[sflag:s31] =	ssyncpa.u1 $0x1  }
0x42: {  	p0 =	sne.s32 s1, $0x0;
	_ =	strace $0x9000004D  }
0x43: {  	s0 =	sadd.s32 @!p0 $0x100000, s0;
	[bflag:$0x2] =	sbarrier.arrive $0xFFFF  }
0x44: {  	[sflag:s0] =	ssyncadd.tile.s32 @!p0 $0x1;
	_ =	shalt  }
.Lfunc_end2:
_tile_overlayer_lowered:
.L_overlay_start_2:
0x45: {  	(tag) =	ssettag $0x2  }
0x46: {  	s0 =	rddreg [dreg:$0x0];
	s2 =	stileid.u32  }
0x47: {  	s1 =	rddreg [dreg:$0x1];
	p0 =	sne.s32 s2, $0x0  }
0x48: {  	s3 =	rddreg [dreg:$0x2];
	[bflag:$0x3] =	sbarrier.arrive $0xFFFF;
	s2 =	simm.s32 @!p0 $0x1C01  }
0x49: {  	[timem:s3], [sflag:s2] =	dma.local @!p0 [hbm:s0], s1  }
0x4a: {  	s0 =	simm.s32 @!p0 $0x1  }
0x4b: {  	_ =	swait.ge @!p0 [sflag:s0], s1  }
0x4c: {  	s1 =	ssub.s32 @!p0 $0x0, s1;
	[sflag:s0] =	ssyncset.done @!p0 $0x0  }
0x4d: {  	[sflag:s0] =	ssyncadd.s32 @!p0 s1  }
0x4e: {  	[bflag:$0x3] =	sbarrier.arrive $0xFFFF  }
0x4f: {  	_ =	shalt  }

</sc_bundles>
